<compile_context>
chip_gen: v7x
topology: tpu7x:2x2x1
jax: 0.10.2.dev20260603
libtpu: 0.0.44.dev20260713+nightly
codegen_flags: <defaults>
</compile_context>

<pallas_src>
import jax
import jax.numpy as jnp
from jax import lax
from jax.experimental import pallas as pl
from jax.experimental.pallas import tpu as pltpu
from jax.experimental.pallas import tpu_sc as plsc

_N = 10000
_D = 128
_E = 320000
_G = 64
_NP = 10240
_CH = 128
_NCH = 2560
_EPAD = _NCH * _CH
_NSC = 2
_NSUB = 16
_NW = _NSC * _NSUB
_CPW = _NCH // _NW
_CPW0 = 120
_CPW1 = 40
_RPT = _NP // _NSUB
_BR = 1280
_NBLK = _NP // _BR

_HIGH = lax.Precision.HIGHEST


def _sc_mesh():
    return plsc.VectorSubcoreMesh(
        core_axis_name="c", subcore_axis_name="s",
        num_cores=_NSC, num_subcores=_NSUB)


def _sc_degree(dst_flat):

    def body(dst_hbm, out_hbm, dst_v, hist):
        c = lax.axis_index("c")
        s = lax.axis_index("s")
        w = c * _NSUB + s
        base = jnp.where(c == 0, s * _CPW0, 16 * _CPW0 + s * _CPW1) * _CH
        ncw = jnp.where(c == 0, _CPW0, _CPW1)
        pltpu.sync_copy(dst_hbm.at[pl.ds(base, _CPW0 * _CH)], dst_v)

        def zstep(k, carry):
            hist[pl.ds(k * 16, 16)] = jnp.zeros((16,), jnp.float32)
            return carry

        lax.fori_loop(0, _NP // 16, zstep, 0)
        ones = jnp.ones((16,), jnp.float32)

        def step(i, carry):
            for g in range(_CH // 16):
                idx = dst_v[pl.ds(i * _CH + g * 16, 16)]
                plsc.addupdate_scatter(hist, [idx], ones)
            return carry

        lax.fori_loop(0, ncw, step, 0)
        pltpu.sync_copy(hist, out_hbm.at[w, 0])

    return pl.kernel(
        body,
        out_type=jax.ShapeDtypeStruct((_NW, 1, _NP), jnp.float32),
        mesh=_sc_mesh(),
        compiler_params=pltpu.CompilerParams(needs_layout_passes=False),
        scratch_types=[
            pltpu.VMEM((_CPW0 * _CH,), jnp.int32),
            pltpu.VMEM((_NP,), jnp.float32),
        ],
    )(dst_flat)


def _sc_scatter(y, zeros_sm, src_r, dst_r):

    def body(y_hbm, zeros_hbm, src_hbm, dst_hbm, out_hbm,
             src_v, dst_v, buf, acc, sem):
        c = lax.axis_index("c")
        s = lax.axis_index("s")
        w = c * _NSUB + s
        r0 = s * _RPT
        base = jnp.where(c == 0, s * _CPW0, 16 * _CPW0 + s * _CPW1)
        ncw = jnp.where(c == 0, _CPW0, _CPW1)
        def zstep(j, carry):
            pltpu.sync_copy(zeros_hbm, acc.at[pl.ds(r0 + j * _CH, _CH)])
            return carry

        lax.fori_loop(0, _RPT // _CH, zstep, 0)
        pltpu.sync_copy(src_hbm.at[pl.ds(base, _CPW0)], src_v)
        pltpu.sync_copy(dst_hbm.at[pl.ds(base, _CPW0)], dst_v)
        plsc.subcore_barrier()

        def step(i, carry):
            pltpu.async_copy(y_hbm.at[src_v.at[i]], buf, sem).wait()
            pltpu.sync_copy(buf, acc.at[dst_v.at[i]], add=True)
            return carry

        lax.fori_loop(0, ncw, step, 0)
        plsc.subcore_barrier()
        pltpu.sync_copy(acc.at[pl.ds(r0, _RPT)], out_hbm.at[c, pl.ds(r0, _RPT)])

    return pl.kernel(
        body,
        out_type=jax.ShapeDtypeStruct((_NSC, _NP, _D), jnp.float32),
        mesh=_sc_mesh(),
        scratch_types=[
            pltpu.VMEM((_CPW0, _CH), jnp.int32),
            pltpu.VMEM((_CPW0, _CH), jnp.int32),
            pltpu.VMEM((_CH, _D), jnp.float32),
            pltpu.VMEM_SHARED((_NP, _D), jnp.float32),
            pltpu.SemaphoreType.DMA,
        ],
    )(y, zeros_sm, src_r, dst_r)


def _dinv_block(dp_ref):
    deg = lax.dot_general(dp_ref[:, 0, :], jnp.ones((_NW, 1), jnp.float32),
                          (((0,), (0,)), ((), ())),
                          preferred_element_type=jnp.float32,
                          precision=_HIGH)
    return lax.rsqrt(deg + 1.0)


def _tc_stage1(x, W1, degp):

    def body(x_ref, w_ref, dp_ref, o_ref):
        dinv = _dinv_block(dp_ref)
        xw = jnp.dot(x_ref[...], w_ref[...],
                     preferred_element_type=jnp.float32, precision=_HIGH)
        o_ref[...] = xw * dinv

    return pl.pallas_call(
        body,
        grid=(_NBLK,),
        in_specs=[
            pl.BlockSpec((_BR, _D), lambda i: (i, 0)),
            pl.BlockSpec((_D, _D), lambda i: (0, 0)),
            pl.BlockSpec((_NW, 1, _BR), lambda i: (0, 0, i)),
        ],
        out_specs=pl.BlockSpec((_BR, _D), lambda i: (i, 0)),
        out_shape=jax.ShapeDtypeStruct((_NP, _D), jnp.float32),
    )(x, W1, degp)


def _tc_stage2(y1, parts, W2, b1, degp):

    def body(y_ref, p_ref, w_ref, b_ref, dp_ref, o_ref):
        dinv = _dinv_block(dp_ref)
        tot = p_ref[0] + p_ref[1] + y_ref[...]
        h = jnp.maximum(tot * dinv + b_ref[...], 0.0)
        hw = jnp.dot(h, w_ref[...],
                     preferred_element_type=jnp.float32, precision=_HIGH)
        o_ref[...] = hw * dinv

    return pl.pallas_call(
        body,
        grid=(_NBLK,),
        in_specs=[
            pl.BlockSpec((_BR, _D), lambda i: (i, 0)),
            pl.BlockSpec((_NSC, _BR, _D), lambda i: (0, i, 0)),
            pl.BlockSpec((_D, _D), lambda i: (0, 0)),
            pl.BlockSpec((1, _D), lambda i: (0, 0)),
            pl.BlockSpec((_NW, 1, _BR), lambda i: (0, 0, i)),
        ],
        out_specs=pl.BlockSpec((_BR, _D), lambda i: (i, 0)),
        out_shape=jax.ShapeDtypeStruct((_NP, _D), jnp.float32),
    )(y1, parts, W2, b1, degp)


def _tc_stage3(y2, parts, b2, degp, batchf):

    def body(y_ref, p_ref, b_ref, dp_ref, bt_ref, o_ref, s_sum, s_cnt):
        i = pl.program_id(0)
        dinv = _dinv_block(dp_ref)
        tot = p_ref[0] + p_ref[1] + y_ref[...]
        h = jnp.maximum(tot * dinv + b_ref[...], 0.0)
        seg = bt_ref[0]
        gids = lax.broadcasted_iota(jnp.int32, (_G, _BR), 0)
        mask = jnp.where(seg == gids, 1.0, 0.0)

        @pl.when(i == 0)
        def _():
            s_sum[...] = jnp.zeros_like(s_sum)
            s_cnt[...] = jnp.zeros_like(s_cnt)

        s_sum[...] += jnp.dot(mask, h,
                              preferred_element_type=jnp.float32,
                              precision=_HIGH)
        s_cnt[...] += jnp.sum(mask, axis=1, keepdims=True)

        @pl.when(i == _NBLK - 1)
        def _():
            o_ref[...] = s_sum[...] / jnp.maximum(s_cnt[...], 1.0)

    return pl.pallas_call(
        body,
        grid=(_NBLK,),
        in_specs=[
            pl.BlockSpec((_BR, _D), lambda i: (i, 0)),
            pl.BlockSpec((_NSC, _BR, _D), lambda i: (0, i, 0)),
            pl.BlockSpec((1, _D), lambda i: (0, 0)),
            pl.BlockSpec((_NW, 1, _BR), lambda i: (0, 0, i)),
            pl.BlockSpec((1, 1, _BR), lambda i: (i, 0, 0)),
        ],
        out_specs=pl.BlockSpec((_G, _D), lambda i: (0, 0)),
        out_shape=jax.ShapeDtypeStruct((_G, _D), jnp.float32),
        scratch_shapes=[
            pltpu.VMEM((_G, _D), jnp.float32),
            pltpu.VMEM((_G, 1), jnp.float32),
        ],
    )(y2, parts, b2, degp, batchf)


def kernel(grid_x, grid_edge_index, grid_batch, surf_x, surf_edge_index,
           surf_batch, W1, b1, W2, b2):
    del grid_x, grid_edge_index, grid_batch

    src = surf_edge_index[0]
    dst = surf_edge_index[1]
    pad_n = _EPAD - _E + _CPW0 * _CH
    src_r = jnp.concatenate(
        [src, jnp.zeros((pad_n,), jnp.int32)]).reshape(_NCH + _CPW0, _CH)
    dst_r = jnp.concatenate(
        [dst, jnp.full((pad_n,), _N, jnp.int32)]).reshape(_NCH + _CPW0, _CH)
    x_pad = jnp.pad(surf_x, ((0, _NP - _N), (0, 0)))
    zeros_sm = jnp.zeros((_CH, _D), jnp.float32)
    batchf = jnp.pad(surf_batch, (0, _NP - _N),
                     constant_values=_G).reshape(_NBLK, 1, _BR)
    b1r = b1.reshape(1, _D)
    b2r = b2.reshape(1, _D)

    degp = _sc_degree(dst_r.reshape(_EPAD + _CPW0 * _CH))
    y1 = _tc_stage1(x_pad, W1, degp)
    p1 = _sc_scatter(y1, zeros_sm, src_r, dst_r)
    y2 = _tc_stage2(y1, p1, W2, b1r, degp)
    p2 = _sc_scatter(y2, zeros_sm, src_r, dst_r)
    return _tc_stage3(y2, p2, b2r, degp, batchf)

# --- scband reference (transcript-rebuilt; emitter-appended) ---
"""Pipeline reference for scband-dual-graph-regressor-34591666602182 (READ-ONLY COPY).

The authoritative reference and input builder live on the scoring server;
editing this copy changes nothing except your own understanding.
"""

import jax, jax.numpy as jnp
import numpy as np

N = 10000
E = 320000
D_IN = 128
D_H = 128
G = 64


def setup_inputs(seed: int = 0) -> dict:
    key = jax.random.key(seed)
    ks = jax.random.split(key, 12)
    grid_x = jax.random.normal(ks[0], (N, D_IN), dtype=jnp.float32)
    grid_edge_index = jax.random.randint(ks[1], (2, E), 0, N, dtype=jnp.int32)
    grid_batch = jnp.sort(jax.random.randint(ks[2], (N,), 0, G, dtype=jnp.int32))
    surf_x = jax.random.normal(ks[3], (N, D_IN), dtype=jnp.float32)
    surf_edge_index = jax.random.randint(ks[4], (2, E), 0, N, dtype=jnp.int32)
    surf_batch = jnp.sort(jax.random.randint(ks[5], (N,), 0, G, dtype=jnp.int32))
    # GCNConv parameters (grid_gcn1 / grid_gcn2 are the ones actually used by the
    # original forward; surf_gcn1/2 are dead parameters and omitted).
    W1 = jax.random.normal(ks[6], (D_IN, D_H), dtype=jnp.float32) * (1.0 / np.sqrt(D_IN))
    b1 = jnp.zeros((D_H,), dtype=jnp.float32)
    W2 = jax.random.normal(ks[7], (D_H, D_H), dtype=jnp.float32) * (1.0 / np.sqrt(D_H))
    b2 = jnp.zeros((D_H,), dtype=jnp.float32)
    return {
        'grid_x': grid_x, 'grid_edge_index': grid_edge_index, 'grid_batch': grid_batch,
        'surf_x': surf_x, 'surf_edge_index': surf_edge_index, 'surf_batch': surf_batch,
        'W1': W1, 'b1': b1, 'W2': W2, 'b2': b2,
    }


def _gcn_conv(x, edge_index, W, b):
    # Kipf & Welling GCNConv: add self-loops, symmetric normalization, scatter-add.
    num_nodes = x.shape[0]
    loop = jnp.arange(num_nodes, dtype=edge_index.dtype)
    src = jnp.concatenate([edge_index[0], loop])
    dst = jnp.concatenate([edge_index[1], loop])
    xw = x @ W
    deg = jnp.zeros((num_nodes,), dtype=x.dtype).at[dst].add(1.0)
    dinv = jnp.where(deg > 0, jax.lax.rsqrt(jnp.maximum(deg, 1e-12)), 0.0)
    norm = dinv[src] * dinv[dst]
    msg = xw[src] * norm[:, None]
    out = jnp.zeros((num_nodes, W.shape[1]), dtype=x.dtype).at[dst].add(msg)
    return out + b


def _global_mean_pool(x, batch, num_graphs):
    sums = jax.ops.segment_sum(x, batch, num_segments=num_graphs)
    cnt = jax.ops.segment_sum(jnp.ones((x.shape[0],), dtype=x.dtype), batch, num_segments=num_graphs)
    return sums / jnp.maximum(cnt, 1.0)[:, None]


def reference(grid_x, grid_edge_index, grid_batch, surf_x, surf_edge_index, surf_batch, W1, b1, W2, b2):
    # Faithful to the original forward: grid_gcn1/grid_gcn2 are applied to
    # surf_data; grid_data tensors are accepted but unused. Dropout is identity
    # in eval mode.
    x1 = jax.nn.relu(_gcn_conv(surf_x, surf_edge_index, W1, b1))
    x1 = jax.nn.relu(_gcn_conv(x1, surf_edge_index, W2, b2))
    x = _global_mean_pool(x1, surf_batch, G)
    return x

if __name__ == "__main__":
    import jax
    _d = setup_inputs()
    print(jax.jit(kernel)(*tuple(_d.values())))

</pallas_src>

<mosaic_0001>
#map = affine_map<(d0, d1) -> (0)>
#map1 = affine_map<(d0, d1) -> (0, 0, 0)>
module attributes {stable_mosaic.version = 14 : i64} {
  func.func @body(%arg0: i32, %arg1: i32, %arg2: memref<343040xi32, #tpu.memory_space<hbm>>, %arg3: memref<32x1x10240xf32, #tpu.memory_space<hbm>>, %arg4: memref<15360xi32, #tpu.memory_space<vmem>>, %arg5: memref<10240xf32, #tpu.memory_space<vmem>>) attributes {dimension_semantics = [#tpu.dimension_semantics<core_parallel>, #tpu.dimension_semantics<subcore_parallel>], iteration_bounds = array<i64: 2, 16>, scalar_prefetch = 0 : i64, scratch_operands = 2 : i64, tpu.core_type = #tpu.core_type<sc_vector_subcore>, window_params = [{transform_indices = #map}, {transform_indices = #map1}]} {
    %mul3A = arith.constant 16 : i32
    %mul3A_0 = arith.muli %arg0, %mul3A : i32
    %add3A = arith.addi %mul3A_0, %arg1 : i32
    %eq3A = arith.constant 0 : i32
    %eq3A_1 = arith.cmpi eq, %arg0, %eq3A : i32
    %mul3A_2 = arith.constant 120 : i32
    %mul3A_3 = arith.muli %arg1, %mul3A_2 : i32
    %mul3A_4 = arith.constant 40 : i32
    %mul3A_5 = arith.muli %arg1, %mul3A_4 : i32
    %add3A_6 = arith.constant 1920 : i32
    %add3A_7 = arith.addi %add3A_6, %mul3A_5 : i32
    %select_n3A = arith.select %eq3A_1, %mul3A_3, %add3A_7 : i32
    %mul3A_8 = arith.constant 128 : i32
    %mul3A_9 = arith.muli %select_n3A, %mul3A_8 : i32
    %eq3A_10 = arith.constant 0 : i32
    %eq3A_11 = arith.cmpi eq, %arg0, %eq3A_10 : i32
    %jit3A = arith.constant 120 : i32
    %jit3A_12 = arith.constant 40 : i32
    %select_n3A_13 = arith.select %eq3A_11, %jit3A, %jit3A_12 : i32
    "tpu.region"() ({
      %run_scoped3A_29 = tpu.sem_alloc : memref<!tpu.dma_semaphore, #tpu.memory_space<semaphore_mem>>
      %dma_start3A = tpu.memref_slice %arg2[%mul3A_9] : memref<343040xi32, #tpu.memory_space<hbm>> -> memref<15360xi32, #tpu.memory_space<hbm>>
      %dma_start3A_30 = tpu.memref_slice %arg2[%mul3A_9] : memref<343040xi32, #tpu.memory_space<hbm>> -> memref<15360xi32, #tpu.memory_space<hbm>>
      tpu.enqueue_dma source(%dma_start3A_30 : memref<15360xi32, #tpu.memory_space<hbm>>) target(%arg4 : memref<15360xi32, #tpu.memory_space<vmem>>) target_semaphore(%run_scoped3A_29 : memref<!tpu.dma_semaphore, #tpu.memory_space<semaphore_mem>>)
      %dma_wait3A = tpu.memref_slice %arg2[%mul3A_9] : memref<343040xi32, #tpu.memory_space<hbm>> -> memref<15360xi32, #tpu.memory_space<hbm>>
      %dma_wait3A_31 = tpu.memref_slice %arg2[%mul3A_9] : memref<343040xi32, #tpu.memory_space<hbm>> -> memref<15360xi32, #tpu.memory_space<hbm>>
      tpu.wait_dma2 semaphore(%run_scoped3A_29 : memref<!tpu.dma_semaphore, #tpu.memory_space<semaphore_mem>>) src(%dma_wait3A_31 : memref<15360xi32, #tpu.memory_space<hbm>>) dst(%arg4 : memref<15360xi32, #tpu.memory_space<vmem>>)
      tpu.yield
    }) : () -> ()
    %scan3A = arith.constant 0 : i32
    %scan3A_14 = arith.constant 0 : i32
    %scan3A_15 = arith.constant 640 : i32
    %scan3A_16 = arith.addi %scan3A_14, %scan3A_15 : i32
    %scan3A_17 = arith.constant 1 : i32
    scf.for %scan3A_29 = %scan3A_14 to %scan3A_16 step %scan3A_17  : i32 {
      %broadcast_in_dim3A_30 = arith.constant 0.000000e+00 : f32
      %broadcast_in_dim3A_31 = vector.broadcast %broadcast_in_dim3A_30 : f32 to vector<16xf32>
      %mul3A_32 = arith.constant 16 : i32
      %mul3A_33 = arith.muli %scan3A_29, %mul3A_32 : i32
      %swap3A = arith.index_cast %mul3A_33 : i32 to index
      %swap3A_34 = tpu.vector_load %arg5[%swap3A] {strides = array<i32>} : memref<10240xf32, #tpu.memory_space<vmem>>, vector<16xf32>,
      tpu.vector_store %arg5[%swap3A], %broadcast_in_dim3A_31 {strides = array<i32>} : memref<10240xf32, #tpu.memory_space<vmem>>, vector<16xf32>,
    }
    %scan3A_18 = arith.constant 640 : i32
    %broadcast_in_dim3A = arith.constant 1.000000e+00 : f32
    %broadcast_in_dim3A_19 = vector.broadcast %broadcast_in_dim3A : f32 to vector<16xf32>
    %while3A = arith.constant 0 : i32
    %while3A_20 = arith.constant 0 : i32
    %while3A_21 = arith.subi %select_n3A_13, %while3A_20 : i32
    %while3A_22 = arith.addi %while3A_20, %while3A_21 : i32
    %while3A_23 = arith.constant 1 : i32
    %while3A_24 = arith.divsi %while3A_21, %while3A_23 : i32
    %while3A_25 = arith.muli %while3A_24, %while3A_23 : i32
    %while3A_26 = arith.addi %while3A_20, %while3A_25 : i32
    %while3A_27 = arith.constant 1 : i32
    scf.for %while3A_29 = %while3A_20 to %while3A_26 step %while3A_27  : i32 {
      %mul3A_30 = arith.constant 128 : i32
      %mul3A_31 = arith.muli %while3A_29, %mul3A_30 : i32
      %add3A_32 = arith.constant 0 : i32
      %add3A_33 = arith.addi %mul3A_31, %add3A_32 : i32
      %get3A = arith.index_cast %add3A_33 : i32 to index
      %get3A_34 = tpu.vector_load %arg4[%get3A] {strides = array<i32>} : memref<15360xi32, #tpu.memory_space<vmem>>, vector<16xi32>,
      tpu.vector_store_idx %arg5[%get3A_34], %broadcast_in_dim3A_19 {add = true} : memref<10240xf32, #tpu.memory_space<vmem>>[vector<16xi32>], vector<16xf32>,
      %mul3A_35 = arith.constant 128 : i32
      %mul3A_36 = arith.muli %while3A_29, %mul3A_35 : i32
      %add3A_37 = arith.constant 16 : i32
      %add3A_38 = arith.addi %mul3A_36, %add3A_37 : i32
      %get3A_39 = arith.index_cast %add3A_38 : i32 to index
      %get3A_40 = tpu.vector_load %arg4[%get3A_39] {strides = array<i32>} : memref<15360xi32, #tpu.memory_space<vmem>>, vector<16xi32>,
      tpu.vector_store_idx %arg5[%get3A_40], %broadcast_in_dim3A_19 {add = true} : memref<10240xf32, #tpu.memory_space<vmem>>[vector<16xi32>], vector<16xf32>,
      %mul3A_41 = arith.constant 128 : i32
      %mul3A_42 = arith.muli %while3A_29, %mul3A_41 : i32
      %add3A_43 = arith.constant 32 : i32
      %add3A_44 = arith.addi %mul3A_42, %add3A_43 : i32
      %get3A_45 = arith.index_cast %add3A_44 : i32 to index
      %get3A_46 = tpu.vector_load %arg4[%get3A_45] {strides = array<i32>} : memref<15360xi32, #tpu.memory_space<vmem>>, vector<16xi32>,
      tpu.vector_store_idx %arg5[%get3A_46], %broadcast_in_dim3A_19 {add = true} : memref<10240xf32, #tpu.memory_space<vmem>>[vector<16xi32>], vector<16xf32>,
      %mul3A_47 = arith.constant 128 : i32
      %mul3A_48 = arith.muli %while3A_29, %mul3A_47 : i32
      %add3A_49 = arith.constant 48 : i32
      %add3A_50 = arith.addi %mul3A_48, %add3A_49 : i32
      %get3A_51 = arith.index_cast %add3A_50 : i32 to index
      %get3A_52 = tpu.vector_load %arg4[%get3A_51] {strides = array<i32>} : memref<15360xi32, #tpu.memory_space<vmem>>, vector<16xi32>,
      tpu.vector_store_idx %arg5[%get3A_52], %broadcast_in_dim3A_19 {add = true} : memref<10240xf32, #tpu.memory_space<vmem>>[vector<16xi32>], vector<16xf32>,
      %mul3A_53 = arith.constant 128 : i32
      %mul3A_54 = arith.muli %while3A_29, %mul3A_53 : i32
      %add3A_55 = arith.constant 64 : i32
      %add3A_56 = arith.addi %mul3A_54, %add3A_55 : i32
      %get3A_57 = arith.index_cast %add3A_56 : i32 to index
      %get3A_58 = tpu.vector_load %arg4[%get3A_57] {strides = array<i32>} : memref<15360xi32, #tpu.memory_space<vmem>>, vector<16xi32>,
      tpu.vector_store_idx %arg5[%get3A_58], %broadcast_in_dim3A_19 {add = true} : memref<10240xf32, #tpu.memory_space<vmem>>[vector<16xi32>], vector<16xf32>,
      %mul3A_59 = arith.constant 128 : i32
      %mul3A_60 = arith.muli %while3A_29, %mul3A_59 : i32
      %add3A_61 = arith.constant 80 : i32
      %add3A_62 = arith.addi %mul3A_60, %add3A_61 : i32
      %get3A_63 = arith.index_cast %add3A_62 : i32 to index
      %get3A_64 = tpu.vector_load %arg4[%get3A_63] {strides = array<i32>} : memref<15360xi32, #tpu.memory_space<vmem>>, vector<16xi32>,
      tpu.vector_store_idx %arg5[%get3A_64], %broadcast_in_dim3A_19 {add = true} : memref<10240xf32, #tpu.memory_space<vmem>>[vector<16xi32>], vector<16xf32>,
      %mul3A_65 = arith.constant 128 : i32
      %mul3A_66 = arith.muli %while3A_29, %mul3A_65 : i32
      %add3A_67 = arith.constant 96 : i32
      %add3A_68 = arith.addi %mul3A_66, %add3A_67 : i32
      %get3A_69 = arith.index_cast %add3A_68 : i32 to index
      %get3A_70 = tpu.vector_load %arg4[%get3A_69] {strides = array<i32>} : memref<15360xi32, #tpu.memory_space<vmem>>, vector<16xi32>,
      tpu.vector_store_idx %arg5[%get3A_70], %broadcast_in_dim3A_19 {add = true} : memref<10240xf32, #tpu.memory_space<vmem>>[vector<16xi32>], vector<16xf32>,
      %mul3A_71 = arith.constant 128 : i32
      %mul3A_72 = arith.muli %while3A_29, %mul3A_71 : i32
      %add3A_73 = arith.constant 112 : i32
      %add3A_74 = arith.addi %mul3A_72, %add3A_73 : i32
      %get3A_75 = arith.index_cast %add3A_74 : i32 to index
      %get3A_76 = tpu.vector_load %arg4[%get3A_75] {strides = array<i32>} : memref<15360xi32, #tpu.memory_space<vmem>>, vector<16xi32>,
      tpu.vector_store_idx %arg5[%get3A_76], %broadcast_in_dim3A_19 {add = true} : memref<10240xf32, #tpu.memory_space<vmem>>[vector<16xi32>], vector<16xf32>,
    }
    %while3A_28 = arith.constant 1 : i32
    scf.for %while3A_29 = %while3A_26 to %while3A_22 step %while3A_28  : i32 {
      %mul3A_30 = arith.constant 128 : i32
      %mul3A_31 = arith.muli %while3A_29, %mul3A_30 : i32
      %add3A_32 = arith.constant 0 : i32
      %add3A_33 = arith.addi %mul3A_31, %add3A_32 : i32
      %get3A = arith.index_cast %add3A_33 : i32 to index
      %get3A_34 = tpu.vector_load %arg4[%get3A] {strides = array<i32>} : memref<15360xi32, #tpu.memory_space<vmem>>, vector<16xi32>,
      tpu.vector_store_idx %arg5[%get3A_34], %broadcast_in_dim3A_19 {add = true} : memref<10240xf32, #tpu.memory_space<vmem>>[vector<16xi32>], vector<16xf32>,
      %mul3A_35 = arith.constant 128 : i32
      %mul3A_36 = arith.muli %while3A_29, %mul3A_35 : i32
      %add3A_37 = arith.constant 16 : i32
      %add3A_38 = arith.addi %mul3A_36, %add3A_37 : i32
      %get3A_39 = arith.index_cast %add3A_38 : i32 to index
      %get3A_40 = tpu.vector_load %arg4[%get3A_39] {strides = array<i32>} : memref<15360xi32, #tpu.memory_space<vmem>>, vector<16xi32>,
      tpu.vector_store_idx %arg5[%get3A_40], %broadcast_in_dim3A_19 {add = true} : memref<10240xf32, #tpu.memory_space<vmem>>[vector<16xi32>], vector<16xf32>,
      %mul3A_41 = arith.constant 128 : i32
      %mul3A_42 = arith.muli %while3A_29, %mul3A_41 : i32
      %add3A_43 = arith.constant 32 : i32
      %add3A_44 = arith.addi %mul3A_42, %add3A_43 : i32
      %get3A_45 = arith.index_cast %add3A_44 : i32 to index
      %get3A_46 = tpu.vector_load %arg4[%get3A_45] {strides = array<i32>} : memref<15360xi32, #tpu.memory_space<vmem>>, vector<16xi32>,
      tpu.vector_store_idx %arg5[%get3A_46], %broadcast_in_dim3A_19 {add = true} : memref<10240xf32, #tpu.memory_space<vmem>>[vector<16xi32>], vector<16xf32>,
      %mul3A_47 = arith.constant 128 : i32
      %mul3A_48 = arith.muli %while3A_29, %mul3A_47 : i32
      %add3A_49 = arith.constant 48 : i32
      %add3A_50 = arith.addi %mul3A_48, %add3A_49 : i32
      %get3A_51 = arith.index_cast %add3A_50 : i32 to index
      %get3A_52 = tpu.vector_load %arg4[%get3A_51] {strides = array<i32>} : memref<15360xi32, #tpu.memory_space<vmem>>, vector<16xi32>,
      tpu.vector_store_idx %arg5[%get3A_52], %broadcast_in_dim3A_19 {add = true} : memref<10240xf32, #tpu.memory_space<vmem>>[vector<16xi32>], vector<16xf32>,
      %mul3A_53 = arith.constant 128 : i32
      %mul3A_54 = arith.muli %while3A_29, %mul3A_53 : i32
      %add3A_55 = arith.constant 64 : i32
      %add3A_56 = arith.addi %mul3A_54, %add3A_55 : i32
      %get3A_57 = arith.index_cast %add3A_56 : i32 to index
      %get3A_58 = tpu.vector_load %arg4[%get3A_57] {strides = array<i32>} : memref<15360xi32, #tpu.memory_space<vmem>>, vector<16xi32>,
      tpu.vector_store_idx %arg5[%get3A_58], %broadcast_in_dim3A_19 {add = true} : memref<10240xf32, #tpu.memory_space<vmem>>[vector<16xi32>], vector<16xf32>,
      %mul3A_59 = arith.constant 128 : i32
      %mul3A_60 = arith.muli %while3A_29, %mul3A_59 : i32
      %add3A_61 = arith.constant 80 : i32
      %add3A_62 = arith.addi %mul3A_60, %add3A_61 : i32
      %get3A_63 = arith.index_cast %add3A_62 : i32 to index
      %get3A_64 = tpu.vector_load %arg4[%get3A_63] {strides = array<i32>} : memref<15360xi32, #tpu.memory_space<vmem>>, vector<16xi32>,
      tpu.vector_store_idx %arg5[%get3A_64], %broadcast_in_dim3A_19 {add = true} : memref<10240xf32, #tpu.memory_space<vmem>>[vector<16xi32>], vector<16xf32>,
      %mul3A_65 = arith.constant 128 : i32
      %mul3A_66 = arith.muli %while3A_29, %mul3A_65 : i32
      %add3A_67 = arith.constant 96 : i32
      %add3A_68 = arith.addi %mul3A_66, %add3A_67 : i32
      %get3A_69 = arith.index_cast %add3A_68 : i32 to index
      %get3A_70 = tpu.vector_load %arg4[%get3A_69] {strides = array<i32>} : memref<15360xi32, #tpu.memory_space<vmem>>, vector<16xi32>,
      tpu.vector_store_idx %arg5[%get3A_70], %broadcast_in_dim3A_19 {add = true} : memref<10240xf32, #tpu.memory_space<vmem>>[vector<16xi32>], vector<16xf32>,
      %mul3A_71 = arith.constant 128 : i32
      %mul3A_72 = arith.muli %while3A_29, %mul3A_71 : i32
      %add3A_73 = arith.constant 112 : i32
      %add3A_74 = arith.addi %mul3A_72, %add3A_73 : i32
      %get3A_75 = arith.index_cast %add3A_74 : i32 to index
      %get3A_76 = tpu.vector_load %arg4[%get3A_75] {strides = array<i32>} : memref<15360xi32, #tpu.memory_space<vmem>>, vector<16xi32>,
      tpu.vector_store_idx %arg5[%get3A_76], %broadcast_in_dim3A_19 {add = true} : memref<10240xf32, #tpu.memory_space<vmem>>[vector<16xi32>], vector<16xf32>,
    }
    %run_scoped3A = arith.constant 0 : i32
    "tpu.region"() ({
      %run_scoped3A_29 = tpu.sem_alloc : memref<!tpu.dma_semaphore, #tpu.memory_space<semaphore_mem>>
      %dma_start3A = arith.constant 0 : i32
      %dma_start3A_30 = tpu.memref_slice %arg3[%add3A, %run_scoped3A, %dma_start3A] : memref<32x1x10240xf32, #tpu.memory_space<hbm>> -> memref<1x1x10240xf32, #tpu.memory_space<hbm>>
      %dma_start3A_31 = tpu.memref_squeeze %dma_start3A_30 : memref<1x1x10240xf32, #tpu.memory_space<hbm>> -> memref<10240xf32, #tpu.memory_space<hbm>>
      %dma_start3A_32 = arith.constant 0 : i32
      %dma_start3A_33 = tpu.memref_slice %arg3[%add3A, %run_scoped3A, %dma_start3A_32] : memref<32x1x10240xf32, #tpu.memory_space<hbm>> -> memref<1x1x10240xf32, #tpu.memory_space<hbm>>
      %dma_start3A_34 = tpu.memref_squeeze %dma_start3A_33 : memref<1x1x10240xf32, #tpu.memory_space<hbm>> -> memref<10240xf32, #tpu.memory_space<hbm>>
      tpu.enqueue_dma source(%arg5 : memref<10240xf32, #tpu.memory_space<vmem>>) target(%dma_start3A_34 : memref<10240xf32, #tpu.memory_space<hbm>>) target_semaphore(%run_scoped3A_29 : memref<!tpu.dma_semaphore, #tpu.memory_space<semaphore_mem>>)
      %dma_wait3A = arith.constant 0 : i32
      %dma_wait3A_35 = tpu.memref_slice %arg3[%add3A, %run_scoped3A, %dma_wait3A] : memref<32x1x10240xf32, #tpu.memory_space<hbm>> -> memref<1x1x10240xf32, #tpu.memory_space<hbm>>
      %dma_wait3A_36 = tpu.memref_squeeze %dma_wait3A_35 : memref<1x1x10240xf32, #tpu.memory_space<hbm>> -> memref<10240xf32, #tpu.memory_space<hbm>>
      %dma_wait3A_37 = arith.constant 0 : i32
      %dma_wait3A_38 = tpu.memref_slice %arg3[%add3A, %run_scoped3A, %dma_wait3A_37] : memref<32x1x10240xf32, #tpu.memory_space<hbm>> -> memref<1x1x10240xf32, #tpu.memory_space<hbm>>
      %dma_wait3A_39 = tpu.memref_squeeze %dma_wait3A_38 : memref<1x1x10240xf32, #tpu.memory_space<hbm>> -> memref<10240xf32, #tpu.memory_space<hbm>>
      tpu.wait_dma2 semaphore(%run_scoped3A_29 : memref<!tpu.dma_semaphore, #tpu.memory_space<semaphore_mem>>) src(%arg5 : memref<10240xf32, #tpu.memory_space<vmem>>) dst(%dma_wait3A_39 : memref<10240xf32, #tpu.memory_space<hbm>>)
      tpu.yield
    }) : () -> ()
    return
  }
}

#map = affine_map<(d0, d1) -> (0, 0)>
#map1 = affine_map<(d0, d1) -> (0, 0, 0)>
module attributes {stable_mosaic.version = 14 : i64} {
  func.func @body(%arg0: i32, %arg1: i32, %arg2: memref<10240x128xf32, #tpu.memory_space<hbm>>, %arg3: memref<128x128xf32, #tpu.memory_space<hbm>>, %arg4: memref<2680x128xi32, #tpu.memory_space<hbm>>, %arg5: memref<2680x128xi32, #tpu.memory_space<hbm>>, %arg6: memref<2x10240x128xf32, #tpu.memory_space<hbm>>, %arg7: memref<120x128xi32, #tpu.memory_space<vmem>>, %arg8: memref<120x128xi32, #tpu.memory_space<vmem>>, %arg9: memref<128x128xf32, #tpu.memory_space<vmem>>, %arg10: memref<10240x128xf32, #tpu.memory_space<vmem_shared>>, %arg11: memref<!tpu.dma_semaphore, #tpu.memory_space<semaphore_mem>>) attributes {dimension_semantics = [#tpu.dimension_semantics<core_parallel>, #tpu.dimension_semantics<subcore_parallel>], iteration_bounds = array<i64: 2, 16>, scalar_prefetch = 0 : i64, scratch_operands = 5 : i64, tpu.core_type = #tpu.core_type<sc_vector_subcore>, window_params = [{transform_indices = #map}, {transform_indices = #map}, {transform_indices = #map}, {transform_indices = #map}, {transform_indices = #map1}]} {
    %mul3A = arith.constant 16 : i32
    %mul3A_0 = arith.muli %arg0, %mul3A : i32
    %add3A = arith.addi %mul3A_0, %arg1 : i32
    %mul3A_1 = arith.constant 640 : i32
    %mul3A_2 = arith.muli %arg1, %mul3A_1 : i32
    %eq3A = arith.constant 0 : i32
    %eq3A_3 = arith.cmpi eq, %arg0, %eq3A : i32
    %mul3A_4 = arith.constant 120 : i32
    %mul3A_5 = arith.muli %arg1, %mul3A_4 : i32
    %mul3A_6 = arith.constant 40 : i32
    %mul3A_7 = arith.muli %arg1, %mul3A_6 : i32
    %add3A_8 = arith.constant 1920 : i32
    %add3A_9 = arith.addi %add3A_8, %mul3A_7 : i32
    %select_n3A = arith.select %eq3A_3, %mul3A_5, %add3A_9 : i32
    %eq3A_10 = arith.constant 0 : i32
    %eq3A_11 = arith.cmpi eq, %arg0, %eq3A_10 : i32
    %jit3A = arith.constant 120 : i32
    %jit3A_12 = arith.constant 40 : i32
    %select_n3A_13 = arith.select %eq3A_11, %jit3A, %jit3A_12 : i32
    %scan3A = arith.constant 0 : i32
    %scan3A_14 = arith.constant 0 : i32
    %scan3A_15 = arith.constant 5 : i32
    %scan3A_16 = arith.addi %scan3A_14, %scan3A_15 : i32
    %scan3A_17 = arith.constant 1 : i32
    scf.for %scan3A_29 = %scan3A_14 to %scan3A_16 step %scan3A_17  : i32 {
      %mul3A_30 = arith.constant 128 : i32
      %mul3A_31 = arith.muli %scan3A_29, %mul3A_30 : i32
      %add3A_32 = arith.addi %mul3A_2, %mul3A_31 : i32
      "tpu.region"() ({
        %run_scoped3A = tpu.sem_alloc : memref<!tpu.dma_semaphore, #tpu.memory_space<semaphore_mem>>
        %dma_start3A = arith.constant 0 : i32
        %dma_start3A_33 = tpu.memref_slice %arg10[%add3A_32, %dma_start3A] : memref<10240x128xf32, #tpu.memory_space<vmem_shared>> -> memref<128x128xf32, #tpu.memory_space<vmem_shared>>
        tpu.enqueue_dma source(%arg3 : memref<128x128xf32, #tpu.memory_space<hbm>>) target(%dma_start3A_33 : memref<128x128xf32, #tpu.memory_space<vmem_shared>>) target_semaphore(%run_scoped3A : memref<!tpu.dma_semaphore, #tpu.memory_space<semaphore_mem>>)
        %dma_wait3A = arith.constant 0 : i32
        %dma_wait3A_34 = tpu.memref_slice %arg10[%add3A_32, %dma_wait3A] : memref<10240x128xf32, #tpu.memory_space<vmem_shared>> -> memref<128x128xf32, #tpu.memory_space<vmem_shared>>
        tpu.wait_dma2 semaphore(%run_scoped3A : memref<!tpu.dma_semaphore, #tpu.memory_space<semaphore_mem>>) src(%arg3 : memref<128x128xf32, #tpu.memory_space<hbm>>) dst(%dma_wait3A_34 : memref<128x128xf32, #tpu.memory_space<vmem_shared>>)
        tpu.yield
      }) : () -> ()
    }
    %scan3A_18 = arith.constant 5 : i32
    "tpu.region"() ({
      %run_scoped3A = tpu.sem_alloc : memref<!tpu.dma_semaphore, #tpu.memory_space<semaphore_mem>>
      %dma_start3A = arith.constant 0 : i32
      %dma_start3A_29 = tpu.memref_slice %arg4[%select_n3A, %dma_start3A] : memref<2680x128xi32, #tpu.memory_space<hbm>> -> memref<120x128xi32, #tpu.memory_space<hbm>>
      %dma_start3A_30 = arith.constant 0 : i32
      %dma_start3A_31 = tpu.memref_slice %arg4[%select_n3A, %dma_start3A_30] : memref<2680x128xi32, #tpu.memory_space<hbm>> -> memref<120x128xi32, #tpu.memory_space<hbm>>
      tpu.enqueue_dma source(%dma_start3A_31 : memref<120x128xi32, #tpu.memory_space<hbm>>) target(%arg7 : memref<120x128xi32, #tpu.memory_space<vmem>>) target_semaphore(%run_scoped3A : memref<!tpu.dma_semaphore, #tpu.memory_space<semaphore_mem>>)
      %dma_wait3A = arith.constant 0 : i32
      %dma_wait3A_32 = tpu.memref_slice %arg4[%select_n3A, %dma_wait3A] : memref<2680x128xi32, #tpu.memory_space<hbm>> -> memref<120x128xi32, #tpu.memory_space<hbm>>
      %dma_wait3A_33 = arith.constant 0 : i32
      %dma_wait3A_34 = tpu.memref_slice %arg4[%select_n3A, %dma_wait3A_33] : memref<2680x128xi32, #tpu.memory_space<hbm>> -> memref<120x128xi32, #tpu.memory_space<hbm>>
      tpu.wait_dma2 semaphore(%run_scoped3A : memref<!tpu.dma_semaphore, #tpu.memory_space<semaphore_mem>>) src(%dma_wait3A_34 : memref<120x128xi32, #tpu.memory_space<hbm>>) dst(%arg7 : memref<120x128xi32, #tpu.memory_space<vmem>>)
      tpu.yield
    }) : () -> ()
    "tpu.region"() ({
      %run_scoped3A = tpu.sem_alloc : memref<!tpu.dma_semaphore, #tpu.memory_space<semaphore_mem>>
      %dma_start3A = arith.constant 0 : i32
      %dma_start3A_29 = tpu.memref_slice %arg5[%select_n3A, %dma_start3A] : memref<2680x128xi32, #tpu.memory_space<hbm>> -> memref<120x128xi32, #tpu.memory_space<hbm>>
      %dma_start3A_30 = arith.constant 0 : i32
      %dma_start3A_31 = tpu.memref_slice %arg5[%select_n3A, %dma_start3A_30] : memref<2680x128xi32, #tpu.memory_space<hbm>> -> memref<120x128xi32, #tpu.memory_space<hbm>>
      tpu.enqueue_dma source(%dma_start3A_31 : memref<120x128xi32, #tpu.memory_space<hbm>>) target(%arg8 : memref<120x128xi32, #tpu.memory_space<vmem>>) target_semaphore(%run_scoped3A : memref<!tpu.dma_semaphore, #tpu.memory_space<semaphore_mem>>)
      %dma_wait3A = arith.constant 0 : i32
      %dma_wait3A_32 = tpu.memref_slice %arg5[%select_n3A, %dma_wait3A] : memref<2680x128xi32, #tpu.memory_space<hbm>> -> memref<120x128xi32, #tpu.memory_space<hbm>>
      %dma_wait3A_33 = arith.constant 0 : i32
      %dma_wait3A_34 = tpu.memref_slice %arg5[%select_n3A, %dma_wait3A_33] : memref<2680x128xi32, #tpu.memory_space<hbm>> -> memref<120x128xi32, #tpu.memory_space<hbm>>
      tpu.wait_dma2 semaphore(%run_scoped3A : memref<!tpu.dma_semaphore, #tpu.memory_space<semaphore_mem>>) src(%dma_wait3A_34 : memref<120x128xi32, #tpu.memory_space<hbm>>) dst(%arg8 : memref<120x128xi32, #tpu.memory_space<vmem>>)
      tpu.yield
    }) : () -> ()
    %barrier3A = arith.constant 0 : index
    tpu.barrier barrier_id(%barrier3A)
    %while3A = arith.constant 0 : i32
    %while3A_19 = arith.constant 0 : i32
    %while3A_20 = arith.subi %select_n3A_13, %while3A_19 : i32
    %while3A_21 = arith.addi %while3A_19, %while3A_20 : i32
    %while3A_22 = arith.constant 1 : i32
    %while3A_23 = arith.divsi %while3A_20, %while3A_22 : i32
    %while3A_24 = arith.muli %while3A_23, %while3A_22 : i32
    %while3A_25 = arith.addi %while3A_19, %while3A_24 : i32
    %while3A_26 = arith.constant 1 : i32
    scf.for %while3A_29 = %while3A_19 to %while3A_25 step %while3A_26  : i32 {
      %dma_start3A = arith.constant 0 : i32
      %dma_start3A_30 = tpu.memref_slice %arg7[%while3A_29, %dma_start3A] : memref<120x128xi32, #tpu.memory_space<vmem>> -> memref<1x128xi32, #tpu.memory_space<vmem>>
      %dma_start3A_31 = tpu.memref_squeeze %dma_start3A_30 : memref<1x128xi32, #tpu.memory_space<vmem>> -> memref<128xi32, #tpu.memory_space<vmem>>
      %dma_start3A_32 = arith.constant 0 : i32
      %dma_start3A_33 = arith.constant 0 : i32
      %dma_start3A_34 = tpu.memref_slice %arg2[%dma_start3A_32, %dma_start3A_33] : memref<10240x128xf32, #tpu.memory_space<hbm>> -> memref<10240x128xf32, #tpu.memory_space<hbm>>
      tpu.enqueue_indirect_dma source(%dma_start3A_34 : memref<10240x128xf32, #tpu.memory_space<hbm>>) target(%arg9 : memref<128x128xf32, #tpu.memory_space<vmem>>) offsets(%dma_start3A_31 : memref<128xi32, #tpu.memory_space<vmem>>) semaphore(%arg11 : memref<!tpu.dma_semaphore, #tpu.memory_space<semaphore_mem>>)
      %dma_wait3A = arith.constant 0 : i32
      %dma_wait3A_35 = tpu.memref_slice %arg7[%while3A_29, %dma_wait3A] : memref<120x128xi32, #tpu.memory_space<vmem>> -> memref<1x128xi32, #tpu.memory_space<vmem>>
      %dma_wait3A_36 = tpu.memref_squeeze %dma_wait3A_35 : memref<1x128xi32, #tpu.memory_space<vmem>> -> memref<128xi32, #tpu.memory_space<vmem>>
      %dma_wait3A_37 = arith.constant 0 : i32
      %dma_wait3A_38 = arith.constant 0 : i32
      %dma_wait3A_39 = tpu.memref_slice %arg2[%dma_wait3A_37, %dma_wait3A_38] : memref<10240x128xf32, #tpu.memory_space<hbm>> -> memref<10240x128xf32, #tpu.memory_space<hbm>>
      tpu.wait_indirect_dma semaphore(%arg11 : memref<!tpu.dma_semaphore, #tpu.memory_space<semaphore_mem>>) src(%dma_wait3A_39 : memref<10240x128xf32, #tpu.memory_space<hbm>>) dst(%arg9 : memref<128x128xf32, #tpu.memory_space<vmem>>)
      "tpu.region"() ({
        %run_scoped3A = tpu.sem_alloc : memref<!tpu.dma_semaphore, #tpu.memory_space<semaphore_mem>>
        %dma_start3A_40 = arith.constant 0 : i32
        %dma_start3A_41 = tpu.memref_slice %arg8[%while3A_29, %dma_start3A_40] : memref<120x128xi32, #tpu.memory_space<vmem>> -> memref<1x128xi32, #tpu.memory_space<vmem>>
        %dma_start3A_42 = tpu.memref_squeeze %dma_start3A_41 : memref<1x128xi32, #tpu.memory_space<vmem>> -> memref<128xi32, #tpu.memory_space<vmem>>
        %dma_start3A_43 = arith.constant 0 : i32
        %dma_start3A_44 = arith.constant 0 : i32
        %dma_start3A_45 = tpu.memref_slice %arg10[%dma_start3A_43, %dma_start3A_44] : memref<10240x128xf32, #tpu.memory_space<vmem_shared>> -> memref<10240x128xf32, #tpu.memory_space<vmem_shared>>
        tpu.enqueue_indirect_dma source(%arg9 : memref<128x128xf32, #tpu.memory_space<vmem>>) target(%dma_start3A_45 : memref<10240x128xf32, #tpu.memory_space<vmem_shared>>) offsets(%dma_start3A_42 : memref<128xi32, #tpu.memory_space<vmem>>) semaphore(%run_scoped3A : memref<!tpu.dma_semaphore, #tpu.memory_space<semaphore_mem>>) {add = true}
        %dma_wait3A_46 = arith.constant 0 : i32
        %dma_wait3A_47 = tpu.memref_slice %arg8[%while3A_29, %dma_wait3A_46] : memref<120x128xi32, #tpu.memory_space<vmem>> -> memref<1x128xi32, #tpu.memory_space<vmem>>
        %dma_wait3A_48 = tpu.memref_squeeze %dma_wait3A_47 : memref<1x128xi32, #tpu.memory_space<vmem>> -> memref<128xi32, #tpu.memory_space<vmem>>
        %dma_wait3A_49 = arith.constant 0 : i32
        %dma_wait3A_50 = arith.constant 0 : i32
        %dma_wait3A_51 = tpu.memref_slice %arg10[%dma_wait3A_49, %dma_wait3A_50] : memref<10240x128xf32, #tpu.memory_space<vmem_shared>> -> memref<10240x128xf32, #tpu.memory_space<vmem_shared>>
        tpu.wait_indirect_dma semaphore(%run_scoped3A : memref<!tpu.dma_semaphore, #tpu.memory_space<semaphore_mem>>) src(%arg9 : memref<128x128xf32, #tpu.memory_space<vmem>>) dst(%dma_wait3A_51 : memref<10240x128xf32, #tpu.memory_space<vmem_shared>>)
        tpu.yield
      }) : () -> ()
    }
    %while3A_27 = arith.constant 1 : i32
    scf.for %while3A_29 = %while3A_25 to %while3A_21 step %while3A_27  : i32 {
      %dma_start3A = arith.constant 0 : i32
      %dma_start3A_30 = tpu.memref_slice %arg7[%while3A_29, %dma_start3A] : memref<120x128xi32, #tpu.memory_space<vmem>> -> memref<1x128xi32, #tpu.memory_space<vmem>>
      %dma_start3A_31 = tpu.memref_squeeze %dma_start3A_30 : memref<1x128xi32, #tpu.memory_space<vmem>> -> memref<128xi32, #tpu.memory_space<vmem>>
      %dma_start3A_32 = arith.constant 0 : i32
      %dma_start3A_33 = arith.constant 0 : i32
      %dma_start3A_34 = tpu.memref_slice %arg2[%dma_start3A_32, %dma_start3A_33] : memref<10240x128xf32, #tpu.memory_space<hbm>> -> memref<10240x128xf32, #tpu.memory_space<hbm>>
      tpu.enqueue_indirect_dma source(%dma_start3A_34 : memref<10240x128xf32, #tpu.memory_space<hbm>>) target(%arg9 : memref<128x128xf32, #tpu.memory_space<vmem>>) offsets(%dma_start3A_31 : memref<128xi32, #tpu.memory_space<vmem>>) semaphore(%arg11 : memref<!tpu.dma_semaphore, #tpu.memory_space<semaphore_mem>>)
      %dma_wait3A = arith.constant 0 : i32
      %dma_wait3A_35 = tpu.memref_slice %arg7[%while3A_29, %dma_wait3A] : memref<120x128xi32, #tpu.memory_space<vmem>> -> memref<1x128xi32, #tpu.memory_space<vmem>>
      %dma_wait3A_36 = tpu.memref_squeeze %dma_wait3A_35 : memref<1x128xi32, #tpu.memory_space<vmem>> -> memref<128xi32, #tpu.memory_space<vmem>>
      %dma_wait3A_37 = arith.constant 0 : i32
      %dma_wait3A_38 = arith.constant 0 : i32
      %dma_wait3A_39 = tpu.memref_slice %arg2[%dma_wait3A_37, %dma_wait3A_38] : memref<10240x128xf32, #tpu.memory_space<hbm>> -> memref<10240x128xf32, #tpu.memory_space<hbm>>
      tpu.wait_indirect_dma semaphore(%arg11 : memref<!tpu.dma_semaphore, #tpu.memory_space<semaphore_mem>>) src(%dma_wait3A_39 : memref<10240x128xf32, #tpu.memory_space<hbm>>) dst(%arg9 : memref<128x128xf32, #tpu.memory_space<vmem>>)
      "tpu.region"() ({
        %run_scoped3A = tpu.sem_alloc : memref<!tpu.dma_semaphore, #tpu.memory_space<semaphore_mem>>
        %dma_start3A_40 = arith.constant 0 : i32
        %dma_start3A_41 = tpu.memref_slice %arg8[%while3A_29, %dma_start3A_40] : memref<120x128xi32, #tpu.memory_space<vmem>> -> memref<1x128xi32, #tpu.memory_space<vmem>>
        %dma_start3A_42 = tpu.memref_squeeze %dma_start3A_41 : memref<1x128xi32, #tpu.memory_space<vmem>> -> memref<128xi32, #tpu.memory_space<vmem>>
        %dma_start3A_43 = arith.constant 0 : i32
        %dma_start3A_44 = arith.constant 0 : i32
        %dma_start3A_45 = tpu.memref_slice %arg10[%dma_start3A_43, %dma_start3A_44] : memref<10240x128xf32, #tpu.memory_space<vmem_shared>> -> memref<10240x128xf32, #tpu.memory_space<vmem_shared>>
        tpu.enqueue_indirect_dma source(%arg9 : memref<128x128xf32, #tpu.memory_space<vmem>>) target(%dma_start3A_45 : memref<10240x128xf32, #tpu.memory_space<vmem_shared>>) offsets(%dma_start3A_42 : memref<128xi32, #tpu.memory_space<vmem>>) semaphore(%run_scoped3A : memref<!tpu.dma_semaphore, #tpu.memory_space<semaphore_mem>>) {add = true}
        %dma_wait3A_46 = arith.constant 0 : i32
        %dma_wait3A_47 = tpu.memref_slice %arg8[%while3A_29, %dma_wait3A_46] : memref<120x128xi32, #tpu.memory_space<vmem>> -> memref<1x128xi32, #tpu.memory_space<vmem>>
        %dma_wait3A_48 = tpu.memref_squeeze %dma_wait3A_47 : memref<1x128xi32, #tpu.memory_space<vmem>> -> memref<128xi32, #tpu.memory_space<vmem>>
        %dma_wait3A_49 = arith.constant 0 : i32
        %dma_wait3A_50 = arith.constant 0 : i32
        %dma_wait3A_51 = tpu.memref_slice %arg10[%dma_wait3A_49, %dma_wait3A_50] : memref<10240x128xf32, #tpu.memory_space<vmem_shared>> -> memref<10240x128xf32, #tpu.memory_space<vmem_shared>>
        tpu.wait_indirect_dma semaphore(%run_scoped3A : memref<!tpu.dma_semaphore, #tpu.memory_space<semaphore_mem>>) src(%arg9 : memref<128x128xf32, #tpu.memory_space<vmem>>) dst(%dma_wait3A_51 : memref<10240x128xf32, #tpu.memory_space<vmem_shared>>)
        tpu.yield
      }) : () -> ()
    }
    %barrier3A_28 = arith.constant 0 : index
    tpu.barrier barrier_id(%barrier3A_28)
    "tpu.region"() ({
      %run_scoped3A = tpu.sem_alloc : memref<!tpu.dma_semaphore, #tpu.memory_space<semaphore_mem>>
      %dma_start3A = arith.constant 0 : i32
      %dma_start3A_29 = tpu.memref_slice %arg6[%arg0, %mul3A_2, %dma_start3A] : memref<2x10240x128xf32, #tpu.memory_space<hbm>> -> memref<1x640x128xf32, #tpu.memory_space<hbm>>
      %dma_start3A_30 = tpu.memref_squeeze %dma_start3A_29 : memref<1x640x128xf32, #tpu.memory_space<hbm>> -> memref<640x128xf32, #tpu.memory_space<hbm>>
      %dma_start3A_31 = arith.constant 0 : i32
      %dma_start3A_32 = tpu.memref_slice %arg10[%mul3A_2, %dma_start3A_31] : memref<10240x128xf32, #tpu.memory_space<vmem_shared>> -> memref<640x128xf32, #tpu.memory_space<vmem_shared>>
      tpu.enqueue_dma source(%dma_start3A_32 : memref<640x128xf32, #tpu.memory_space<vmem_shared>>) target(%dma_start3A_30 : memref<640x128xf32, #tpu.memory_space<hbm>>) target_semaphore(%run_scoped3A : memref<!tpu.dma_semaphore, #tpu.memory_space<semaphore_mem>>)
      %dma_wait3A = arith.constant 0 : i32
      %dma_wait3A_33 = tpu.memref_slice %arg6[%arg0, %mul3A_2, %dma_wait3A] : memref<2x10240x128xf32, #tpu.memory_space<hbm>> -> memref<1x640x128xf32, #tpu.memory_space<hbm>>
      %dma_wait3A_34 = tpu.memref_squeeze %dma_wait3A_33 : memref<1x640x128xf32, #tpu.memory_space<hbm>> -> memref<640x128xf32, #tpu.memory_space<hbm>>
      %dma_wait3A_35 = arith.constant 0 : i32
      %dma_wait3A_36 = tpu.memref_slice %arg10[%mul3A_2, %dma_wait3A_35] : memref<10240x128xf32, #tpu.memory_space<vmem_shared>> -> memref<640x128xf32, #tpu.memory_space<vmem_shared>>
      tpu.wait_dma2 semaphore(%run_scoped3A : memref<!tpu.dma_semaphore, #tpu.memory_space<semaphore_mem>>) src(%dma_wait3A_36 : memref<640x128xf32, #tpu.memory_space<vmem_shared>>) dst(%dma_wait3A_34 : memref<640x128xf32, #tpu.memory_space<hbm>>)
      tpu.yield
    }) : () -> ()
    return
  }
}

#map = affine_map<(d0, d1) -> (0, 0)>
#map1 = affine_map<(d0, d1) -> (0, 0, 0)>
module attributes {stable_mosaic.version = 14 : i64} {
  func.func @body(%arg0: i32, %arg1: i32, %arg2: memref<10240x128xf32, #tpu.memory_space<hbm>>, %arg3: memref<128x128xf32, #tpu.memory_space<hbm>>, %arg4: memref<2680x128xi32, #tpu.memory_space<hbm>>, %arg5: memref<2680x128xi32, #tpu.memory_space<hbm>>, %arg6: memref<2x10240x128xf32, #tpu.memory_space<hbm>>, %arg7: memref<120x128xi32, #tpu.memory_space<vmem>>, %arg8: memref<120x128xi32, #tpu.memory_space<vmem>>, %arg9: memref<128x128xf32, #tpu.memory_space<vmem>>, %arg10: memref<10240x128xf32, #tpu.memory_space<vmem_shared>>, %arg11: memref<!tpu.dma_semaphore, #tpu.memory_space<semaphore_mem>>) attributes {dimension_semantics = [#tpu.dimension_semantics<core_parallel>, #tpu.dimension_semantics<subcore_parallel>], iteration_bounds = array<i64: 2, 16>, scalar_prefetch = 0 : i64, scratch_operands = 5 : i64, tpu.core_type = #tpu.core_type<sc_vector_subcore>, window_params = [{transform_indices = #map}, {transform_indices = #map}, {transform_indices = #map}, {transform_indices = #map}, {transform_indices = #map1}]} {
    %mul3A = arith.constant 16 : i32
    %mul3A_0 = arith.muli %arg0, %mul3A : i32
    %add3A = arith.addi %mul3A_0, %arg1 : i32
    %mul3A_1 = arith.constant 640 : i32
    %mul3A_2 = arith.muli %arg1, %mul3A_1 : i32
    %eq3A = arith.constant 0 : i32
    %eq3A_3 = arith.cmpi eq, %arg0, %eq3A : i32
    %mul3A_4 = arith.constant 120 : i32
    %mul3A_5 = arith.muli %arg1, %mul3A_4 : i32
    %mul3A_6 = arith.constant 40 : i32
    %mul3A_7 = arith.muli %arg1, %mul3A_6 : i32
    %add3A_8 = arith.constant 1920 : i32
    %add3A_9 = arith.addi %add3A_8, %mul3A_7 : i32
    %select_n3A = arith.select %eq3A_3, %mul3A_5, %add3A_9 : i32
    %eq3A_10 = arith.constant 0 : i32
    %eq3A_11 = arith.cmpi eq, %arg0, %eq3A_10 : i32
    %jit3A = arith.constant 120 : i32
    %jit3A_12 = arith.constant 40 : i32
    %select_n3A_13 = arith.select %eq3A_11, %jit3A, %jit3A_12 : i32
    %scan3A = arith.constant 0 : i32
    %scan3A_14 = arith.constant 0 : i32
    %scan3A_15 = arith.constant 5 : i32
    %scan3A_16 = arith.addi %scan3A_14, %scan3A_15 : i32
    %scan3A_17 = arith.constant 1 : i32
    scf.for %scan3A_29 = %scan3A_14 to %scan3A_16 step %scan3A_17  : i32 {
      %mul3A_30 = arith.constant 128 : i32
      %mul3A_31 = arith.muli %scan3A_29, %mul3A_30 : i32
      %add3A_32 = arith.addi %mul3A_2, %mul3A_31 : i32
      "tpu.region"() ({
        %run_scoped3A = tpu.sem_alloc : memref<!tpu.dma_semaphore, #tpu.memory_space<semaphore_mem>>
        %dma_start3A = arith.constant 0 : i32
        %dma_start3A_33 = tpu.memref_slice %arg10[%add3A_32, %dma_start3A] : memref<10240x128xf32, #tpu.memory_space<vmem_shared>> -> memref<128x128xf32, #tpu.memory_space<vmem_shared>>
        tpu.enqueue_dma source(%arg3 : memref<128x128xf32, #tpu.memory_space<hbm>>) target(%dma_start3A_33 : memref<128x128xf32, #tpu.memory_space<vmem_shared>>) target_semaphore(%run_scoped3A : memref<!tpu.dma_semaphore, #tpu.memory_space<semaphore_mem>>)
        %dma_wait3A = arith.constant 0 : i32
        %dma_wait3A_34 = tpu.memref_slice %arg10[%add3A_32, %dma_wait3A] : memref<10240x128xf32, #tpu.memory_space<vmem_shared>> -> memref<128x128xf32, #tpu.memory_space<vmem_shared>>
        tpu.wait_dma2 semaphore(%run_scoped3A : memref<!tpu.dma_semaphore, #tpu.memory_space<semaphore_mem>>) src(%arg3 : memref<128x128xf32, #tpu.memory_space<hbm>>) dst(%dma_wait3A_34 : memref<128x128xf32, #tpu.memory_space<vmem_shared>>)
        tpu.yield
      }) : () -> ()
    }
    %scan3A_18 = arith.constant 5 : i32
    "tpu.region"() ({
      %run_scoped3A = tpu.sem_alloc : memref<!tpu.dma_semaphore, #tpu.memory_space<semaphore_mem>>
      %dma_start3A = arith.constant 0 : i32
      %dma_start3A_29 = tpu.memref_slice %arg4[%select_n3A, %dma_start3A] : memref<2680x128xi32, #tpu.memory_space<hbm>> -> memref<120x128xi32, #tpu.memory_space<hbm>>
      %dma_start3A_30 = arith.constant 0 : i32
      %dma_start3A_31 = tpu.memref_slice %arg4[%select_n3A, %dma_start3A_30] : memref<2680x128xi32, #tpu.memory_space<hbm>> -> memref<120x128xi32, #tpu.memory_space<hbm>>
      tpu.enqueue_dma source(%dma_start3A_31 : memref<120x128xi32, #tpu.memory_space<hbm>>) target(%arg7 : memref<120x128xi32, #tpu.memory_space<vmem>>) target_semaphore(%run_scoped3A : memref<!tpu.dma_semaphore, #tpu.memory_space<semaphore_mem>>)
      %dma_wait3A = arith.constant 0 : i32
      %dma_wait3A_32 = tpu.memref_slice %arg4[%select_n3A, %dma_wait3A] : memref<2680x128xi32, #tpu.memory_space<hbm>> -> memref<120x128xi32, #tpu.memory_space<hbm>>
      %dma_wait3A_33 = arith.constant 0 : i32
      %dma_wait3A_34 = tpu.memref_slice %arg4[%select_n3A, %dma_wait3A_33] : memref<2680x128xi32, #tpu.memory_space<hbm>> -> memref<120x128xi32, #tpu.memory_space<hbm>>
      tpu.wait_dma2 semaphore(%run_scoped3A : memref<!tpu.dma_semaphore, #tpu.memory_space<semaphore_mem>>) src(%dma_wait3A_34 : memref<120x128xi32, #tpu.memory_space<hbm>>) dst(%arg7 : memref<120x128xi32, #tpu.memory_space<vmem>>)
      tpu.yield
    }) : () -> ()
    "tpu.region"() ({
      %run_scoped3A = tpu.sem_alloc : memref<!tpu.dma_semaphore, #tpu.memory_space<semaphore_mem>>
      %dma_start3A = arith.constant 0 : i32
      %dma_start3A_29 = tpu.memref_slice %arg5[%select_n3A, %dma_start3A] : memref<2680x128xi32, #tpu.memory_space<hbm>> -> memref<120x128xi32, #tpu.memory_space<hbm>>
      %dma_start3A_30 = arith.constant 0 : i32
      %dma_start3A_31 = tpu.memref_slice %arg5[%select_n3A, %dma_start3A_30] : memref<2680x128xi32, #tpu.memory_space<hbm>> -> memref<120x128xi32, #tpu.memory_space<hbm>>
      tpu.enqueue_dma source(%dma_start3A_31 : memref<120x128xi32, #tpu.memory_space<hbm>>) target(%arg8 : memref<120x128xi32, #tpu.memory_space<vmem>>) target_semaphore(%run_scoped3A : memref<!tpu.dma_semaphore, #tpu.memory_space<semaphore_mem>>)
      %dma_wait3A = arith.constant 0 : i32
      %dma_wait3A_32 = tpu.memref_slice %arg5[%select_n3A, %dma_wait3A] : memref<2680x128xi32, #tpu.memory_space<hbm>> -> memref<120x128xi32, #tpu.memory_space<hbm>>
      %dma_wait3A_33 = arith.constant 0 : i32
      %dma_wait3A_34 = tpu.memref_slice %arg5[%select_n3A, %dma_wait3A_33] : memref<2680x128xi32, #tpu.memory_space<hbm>> -> memref<120x128xi32, #tpu.memory_space<hbm>>
      tpu.wait_dma2 semaphore(%run_scoped3A : memref<!tpu.dma_semaphore, #tpu.memory_space<semaphore_mem>>) src(%dma_wait3A_34 : memref<120x128xi32, #tpu.memory_space<hbm>>) dst(%arg8 : memref<120x128xi32, #tpu.memory_space<vmem>>)
      tpu.yield
    }) : () -> ()
    %barrier3A = arith.constant 0 : index
    tpu.barrier barrier_id(%barrier3A)
    %while3A = arith.constant 0 : i32
    %while3A_19 = arith.constant 0 : i32
    %while3A_20 = arith.subi %select_n3A_13, %while3A_19 : i32
    %while3A_21 = arith.addi %while3A_19, %while3A_20 : i32
    %while3A_22 = arith.constant 1 : i32
    %while3A_23 = arith.divsi %while3A_20, %while3A_22 : i32
    %while3A_24 = arith.muli %while3A_23, %while3A_22 : i32
    %while3A_25 = arith.addi %while3A_19, %while3A_24 : i32
    %while3A_26 = arith.constant 1 : i32
    scf.for %while3A_29 = %while3A_19 to %while3A_25 step %while3A_26  : i32 {
      %dma_start3A = arith.constant 0 : i32
      %dma_start3A_30 = tpu.memref_slice %arg7[%while3A_29, %dma_start3A] : memref<120x128xi32, #tpu.memory_space<vmem>> -> memref<1x128xi32, #tpu.memory_space<vmem>>
      %dma_start3A_31 = tpu.memref_squeeze %dma_start3A_30 : memref<1x128xi32, #tpu.memory_space<vmem>> -> memref<128xi32, #tpu.memory_space<vmem>>
      %dma_start3A_32 = arith.constant 0 : i32
      %dma_start3A_33 = arith.constant 0 : i32
      %dma_start3A_34 = tpu.memref_slice %arg2[%dma_start3A_32, %dma_start3A_33] : memref<10240x128xf32, #tpu.memory_space<hbm>> -> memref<10240x128xf32, #tpu.memory_space<hbm>>
      tpu.enqueue_indirect_dma source(%dma_start3A_34 : memref<10240x128xf32, #tpu.memory_space<hbm>>) target(%arg9 : memref<128x128xf32, #tpu.memory_space<vmem>>) offsets(%dma_start3A_31 : memref<128xi32, #tpu.memory_space<vmem>>) semaphore(%arg11 : memref<!tpu.dma_semaphore, #tpu.memory_space<semaphore_mem>>)
      %dma_wait3A = arith.constant 0 : i32
      %dma_wait3A_35 = tpu.memref_slice %arg7[%while3A_29, %dma_wait3A] : memref<120x128xi32, #tpu.memory_space<vmem>> -> memref<1x128xi32, #tpu.memory_space<vmem>>
      %dma_wait3A_36 = tpu.memref_squeeze %dma_wait3A_35 : memref<1x128xi32, #tpu.memory_space<vmem>> -> memref<128xi32, #tpu.memory_space<vmem>>
      %dma_wait3A_37 = arith.constant 0 : i32
      %dma_wait3A_38 = arith.constant 0 : i32
      %dma_wait3A_39 = tpu.memref_slice %arg2[%dma_wait3A_37, %dma_wait3A_38] : memref<10240x128xf32, #tpu.memory_space<hbm>> -> memref<10240x128xf32, #tpu.memory_space<hbm>>
      tpu.wait_indirect_dma semaphore(%arg11 : memref<!tpu.dma_semaphore, #tpu.memory_space<semaphore_mem>>) src(%dma_wait3A_39 : memref<10240x128xf32, #tpu.memory_space<hbm>>) dst(%arg9 : memref<128x128xf32, #tpu.memory_space<vmem>>)
      "tpu.region"() ({
        %run_scoped3A = tpu.sem_alloc : memref<!tpu.dma_semaphore, #tpu.memory_space<semaphore_mem>>
        %dma_start3A_40 = arith.constant 0 : i32
        %dma_start3A_41 = tpu.memref_slice %arg8[%while3A_29, %dma_start3A_40] : memref<120x128xi32, #tpu.memory_space<vmem>> -> memref<1x128xi32, #tpu.memory_space<vmem>>
        %dma_start3A_42 = tpu.memref_squeeze %dma_start3A_41 : memref<1x128xi32, #tpu.memory_space<vmem>> -> memref<128xi32, #tpu.memory_space<vmem>>
        %dma_start3A_43 = arith.constant 0 : i32
        %dma_start3A_44 = arith.constant 0 : i32
        %dma_start3A_45 = tpu.memref_slice %arg10[%dma_start3A_43, %dma_start3A_44] : memref<10240x128xf32, #tpu.memory_space<vmem_shared>> -> memref<10240x128xf32, #tpu.memory_space<vmem_shared>>
        tpu.enqueue_indirect_dma source(%arg9 : memref<128x128xf32, #tpu.memory_space<vmem>>) target(%dma_start3A_45 : memref<10240x128xf32, #tpu.memory_space<vmem_shared>>) offsets(%dma_start3A_42 : memref<128xi32, #tpu.memory_space<vmem>>) semaphore(%run_scoped3A : memref<!tpu.dma_semaphore, #tpu.memory_space<semaphore_mem>>) {add = true}
        %dma_wait3A_46 = arith.constant 0 : i32
        %dma_wait3A_47 = tpu.memref_slice %arg8[%while3A_29, %dma_wait3A_46] : memref<120x128xi32, #tpu.memory_space<vmem>> -> memref<1x128xi32, #tpu.memory_space<vmem>>
        %dma_wait3A_48 = tpu.memref_squeeze %dma_wait3A_47 : memref<1x128xi32, #tpu.memory_space<vmem>> -> memref<128xi32, #tpu.memory_space<vmem>>
        %dma_wait3A_49 = arith.constant 0 : i32
        %dma_wait3A_50 = arith.constant 0 : i32
        %dma_wait3A_51 = tpu.memref_slice %arg10[%dma_wait3A_49, %dma_wait3A_50] : memref<10240x128xf32, #tpu.memory_space<vmem_shared>> -> memref<10240x128xf32, #tpu.memory_space<vmem_shared>>
        tpu.wait_indirect_dma semaphore(%run_scoped3A : memref<!tpu.dma_semaphore, #tpu.memory_space<semaphore_mem>>) src(%arg9 : memref<128x128xf32, #tpu.memory_space<vmem>>) dst(%dma_wait3A_51 : memref<10240x128xf32, #tpu.memory_space<vmem_shared>>)
        tpu.yield
      }) : () -> ()
    }
    %while3A_27 = arith.constant 1 : i32
    scf.for %while3A_29 = %while3A_25 to %while3A_21 step %while3A_27  : i32 {
      %dma_start3A = arith.constant 0 : i32
      %dma_start3A_30 = tpu.memref_slice %arg7[%while3A_29, %dma_start3A] : memref<120x128xi32, #tpu.memory_space<vmem>> -> memref<1x128xi32, #tpu.memory_space<vmem>>
      %dma_start3A_31 = tpu.memref_squeeze %dma_start3A_30 : memref<1x128xi32, #tpu.memory_space<vmem>> -> memref<128xi32, #tpu.memory_space<vmem>>
      %dma_start3A_32 = arith.constant 0 : i32
      %dma_start3A_33 = arith.constant 0 : i32
      %dma_start3A_34 = tpu.memref_slice %arg2[%dma_start3A_32, %dma_start3A_33] : memref<10240x128xf32, #tpu.memory_space<hbm>> -> memref<10240x128xf32, #tpu.memory_space<hbm>>
      tpu.enqueue_indirect_dma source(%dma_start3A_34 : memref<10240x128xf32, #tpu.memory_space<hbm>>) target(%arg9 : memref<128x128xf32, #tpu.memory_space<vmem>>) offsets(%dma_start3A_31 : memref<128xi32, #tpu.memory_space<vmem>>) semaphore(%arg11 : memref<!tpu.dma_semaphore, #tpu.memory_space<semaphore_mem>>)
      %dma_wait3A = arith.constant 0 : i32
      %dma_wait3A_35 = tpu.memref_slice %arg7[%while3A_29, %dma_wait3A] : memref<120x128xi32, #tpu.memory_space<vmem>> -> memref<1x128xi32, #tpu.memory_space<vmem>>
      %dma_wait3A_36 = tpu.memref_squeeze %dma_wait3A_35 : memref<1x128xi32, #tpu.memory_space<vmem>> -> memref<128xi32, #tpu.memory_space<vmem>>
      %dma_wait3A_37 = arith.constant 0 : i32
      %dma_wait3A_38 = arith.constant 0 : i32
      %dma_wait3A_39 = tpu.memref_slice %arg2[%dma_wait3A_37, %dma_wait3A_38] : memref<10240x128xf32, #tpu.memory_space<hbm>> -> memref<10240x128xf32, #tpu.memory_space<hbm>>
      tpu.wait_indirect_dma semaphore(%arg11 : memref<!tpu.dma_semaphore, #tpu.memory_space<semaphore_mem>>) src(%dma_wait3A_39 : memref<10240x128xf32, #tpu.memory_space<hbm>>) dst(%arg9 : memref<128x128xf32, #tpu.memory_space<vmem>>)
      "tpu.region"() ({
        %run_scoped3A = tpu.sem_alloc : memref<!tpu.dma_semaphore, #tpu.memory_space<semaphore_mem>>
        %dma_start3A_40 = arith.constant 0 : i32
        %dma_start3A_41 = tpu.memref_slice %arg8[%while3A_29, %dma_start3A_40] : memref<120x128xi32, #tpu.memory_space<vmem>> -> memref<1x128xi32, #tpu.memory_space<vmem>>
        %dma_start3A_42 = tpu.memref_squeeze %dma_start3A_41 : memref<1x128xi32, #tpu.memory_space<vmem>> -> memref<128xi32, #tpu.memory_space<vmem>>
        %dma_start3A_43 = arith.constant 0 : i32
        %dma_start3A_44 = arith.constant 0 : i32
        %dma_start3A_45 = tpu.memref_slice %arg10[%dma_start3A_43, %dma_start3A_44] : memref<10240x128xf32, #tpu.memory_space<vmem_shared>> -> memref<10240x128xf32, #tpu.memory_space<vmem_shared>>
        tpu.enqueue_indirect_dma source(%arg9 : memref<128x128xf32, #tpu.memory_space<vmem>>) target(%dma_start3A_45 : memref<10240x128xf32, #tpu.memory_space<vmem_shared>>) offsets(%dma_start3A_42 : memref<128xi32, #tpu.memory_space<vmem>>) semaphore(%run_scoped3A : memref<!tpu.dma_semaphore, #tpu.memory_space<semaphore_mem>>) {add = true}
        %dma_wait3A_46 = arith.constant 0 : i32
        %dma_wait3A_47 = tpu.memref_slice %arg8[%while3A_29, %dma_wait3A_46] : memref<120x128xi32, #tpu.memory_space<vmem>> -> memref<1x128xi32, #tpu.memory_space<vmem>>
        %dma_wait3A_48 = tpu.memref_squeeze %dma_wait3A_47 : memref<1x128xi32, #tpu.memory_space<vmem>> -> memref<128xi32, #tpu.memory_space<vmem>>
        %dma_wait3A_49 = arith.constant 0 : i32
        %dma_wait3A_50 = arith.constant 0 : i32
        %dma_wait3A_51 = tpu.memref_slice %arg10[%dma_wait3A_49, %dma_wait3A_50] : memref<10240x128xf32, #tpu.memory_space<vmem_shared>> -> memref<10240x128xf32, #tpu.memory_space<vmem_shared>>
        tpu.wait_indirect_dma semaphore(%run_scoped3A : memref<!tpu.dma_semaphore, #tpu.memory_space<semaphore_mem>>) src(%arg9 : memref<128x128xf32, #tpu.memory_space<vmem>>) dst(%dma_wait3A_51 : memref<10240x128xf32, #tpu.memory_space<vmem_shared>>)
        tpu.yield
      }) : () -> ()
    }
    %barrier3A_28 = arith.constant 0 : index
    tpu.barrier barrier_id(%barrier3A_28)
    "tpu.region"() ({
      %run_scoped3A = tpu.sem_alloc : memref<!tpu.dma_semaphore, #tpu.memory_space<semaphore_mem>>
      %dma_start3A = arith.constant 0 : i32
      %dma_start3A_29 = tpu.memref_slice %arg6[%arg0, %mul3A_2, %dma_start3A] : memref<2x10240x128xf32, #tpu.memory_space<hbm>> -> memref<1x640x128xf32, #tpu.memory_space<hbm>>
      %dma_start3A_30 = tpu.memref_squeeze %dma_start3A_29 : memref<1x640x128xf32, #tpu.memory_space<hbm>> -> memref<640x128xf32, #tpu.memory_space<hbm>>
      %dma_start3A_31 = arith.constant 0 : i32
      %dma_start3A_32 = tpu.memref_slice %arg10[%mul3A_2, %dma_start3A_31] : memref<10240x128xf32, #tpu.memory_space<vmem_shared>> -> memref<640x128xf32, #tpu.memory_space<vmem_shared>>
      tpu.enqueue_dma source(%dma_start3A_32 : memref<640x128xf32, #tpu.memory_space<vmem_shared>>) target(%dma_start3A_30 : memref<640x128xf32, #tpu.memory_space<hbm>>) target_semaphore(%run_scoped3A : memref<!tpu.dma_semaphore, #tpu.memory_space<semaphore_mem>>)
      %dma_wait3A = arith.constant 0 : i32
      %dma_wait3A_33 = tpu.memref_slice %arg6[%arg0, %mul3A_2, %dma_wait3A] : memref<2x10240x128xf32, #tpu.memory_space<hbm>> -> memref<1x640x128xf32, #tpu.memory_space<hbm>>
      %dma_wait3A_34 = tpu.memref_squeeze %dma_wait3A_33 : memref<1x640x128xf32, #tpu.memory_space<hbm>> -> memref<640x128xf32, #tpu.memory_space<hbm>>
      %dma_wait3A_35 = arith.constant 0 : i32
      %dma_wait3A_36 = tpu.memref_slice %arg10[%mul3A_2, %dma_wait3A_35] : memref<10240x128xf32, #tpu.memory_space<vmem_shared>> -> memref<640x128xf32, #tpu.memory_space<vmem_shared>>
      tpu.wait_dma2 semaphore(%run_scoped3A : memref<!tpu.dma_semaphore, #tpu.memory_space<semaphore_mem>>) src(%dma_wait3A_36 : memref<640x128xf32, #tpu.memory_space<vmem_shared>>) dst(%dma_wait3A_34 : memref<640x128xf32, #tpu.memory_space<hbm>>)
      tpu.yield
    }) : () -> ()
    return
  }
}

module attributes {stable_mosaic.version = 14 : i64} {
  func.func @body(%arg0: i32, %arg1: memref<1280x128xf32, #tpu.memory_space<vmem>>, %arg2: memref<128x128xf32, #tpu.memory_space<vmem>>, %arg3: memref<32x1x1280xf32, #tpu.memory_space<vmem>>, %arg4: memref<1280x128xf32, #tpu.memory_space<vmem>>) attributes {dimension_semantics = [#tpu.dimension_semantics<arbitrary>], iteration_bounds = array<i64: 8>, scalar_prefetch = 0 : i64, scratch_operands = 0 : i64, tpu.core_type = #tpu.core_type<tc>, window_params = [{transform_indices = @transform_0, window_bounds = array<i64: 1280, 128>}, {pipeline_mode = #tpu.pipeline_mode<synchronous>, transform_indices = @transform_1, window_bounds = array<i64: 128, 128>}, {transform_indices = @transform_2, window_bounds = array<i64: 32, 1, 1280>}, {transform_indices = @transform_3, window_bounds = array<i64: 1280, 128>}]} {
    %get3A = arith.constant 0 : index
    %get3A_0 = arith.constant 0 : index
    %get3A_1 = arith.constant 0 : index
    %get3A_2 = vector.load %arg3[%get3A, %get3A_0, %get3A_1] : memref<32x1x1280xf32, #tpu.memory_space<vmem>>, vector<32x1x1280xf32>
    %get3A_3 = vector.shape_cast %get3A_2 : vector<32x1x1280xf32> to vector<32x1280xf32>
    %broadcast_in_dim3A = arith.constant 1.000000e+00 : f32
    %broadcast_in_dim3A_4 = vector.broadcast %broadcast_in_dim3A : f32 to vector<32x1xf32>
    %dot_general3A = arith.constant dense<0.000000e+00> : vector<1280x1xf32>
    %dot_general3A_5 = tpu.matmul %get3A_3, %broadcast_in_dim3A_4, %dot_general3A {dimension_numbers = #tpu.dot_dimension_numbers<[0], [0], [1], [1], [0, 1, 1, 1], [], []>, precision = #tpu.contract_precision<fp32>, transpose_lhs_hint = false} : vector<32x1280xf32>, vector<32x1xf32>, vector<1280x1xf32> -> vector<1280x1xf32>
    %add3A = arith.constant 1.000000e+00 : f32
    %add3A_6 = vector.broadcast %add3A : f32 to vector<1280x1xf32>
    %add3A_7 = arith.addf %dot_general3A_5, %add3A_6 : vector<1280x1xf32>
    %rsqrt3A = math.rsqrt %add3A_7 : vector<1280x1xf32>
    %get3A_8 = arith.constant 0 : index
    %get3A_9 = arith.constant 0 : index
    %get3A_10 = vector.load %arg1[%get3A_8, %get3A_9] : memref<1280x128xf32, #tpu.memory_space<vmem>>, vector<1280x128xf32>
    %get3A_11 = arith.constant 0 : index
    %get3A_12 = arith.constant 0 : index
    %get3A_13 = vector.load %arg2[%get3A_11, %get3A_12] : memref<128x128xf32, #tpu.memory_space<vmem>>, vector<128x128xf32>
    %dot_general3A_14 = arith.constant dense<0.000000e+00> : vector<1280x128xf32>
    %dot_general3A_15 = tpu.matmul %get3A_10, %get3A_13, %dot_general3A_14 {dimension_numbers = #tpu.dot_dimension_numbers<[1], [0], [0], [1], [0, 0, 1, 1], [], []>, precision = #tpu.contract_precision<fp32>, transpose_lhs_hint = false} : vector<1280x128xf32>, vector<128x128xf32>, vector<1280x128xf32> -> vector<1280x128xf32>
    %mul3A = vector.broadcast %rsqrt3A : vector<1280x1xf32> to vector<1280x128xf32>
    %mul3A_16 = arith.mulf %dot_general3A_15, %mul3A : vector<1280x128xf32>
    %swap3A = arith.constant 0 : index
    %swap3A_17 = arith.constant 0 : index
    %swap3A_18 = vector.load %arg4[%swap3A, %swap3A_17] : memref<1280x128xf32, #tpu.memory_space<vmem>>, vector<1280x128xf32>
    tpu.vector_store %arg4[%swap3A, %swap3A_17], %mul3A_16 {strides = array<i32>} : memref<1280x128xf32, #tpu.memory_space<vmem>>, vector<1280x128xf32>,
    return
  }
  func.func @transform_0(%arg0: i32) -> (i32, i32) {
    %c0_i32 = arith.constant 0 : i32
    %c0_i32_0 = arith.constant 0 : i32
    return %arg0, %c0_i32 : i32, i32
  }
  func.func @transform_1(%arg0: i32) -> (i32, i32) {
    %c0_i32 = arith.constant 0 : i32
    %c0_i32_0 = arith.constant 0 : i32
    %c0_i32_1 = arith.constant 0 : i32
    return %c0_i32, %c0_i32_0 : i32, i32
  }
  func.func @transform_2(%arg0: i32) -> (i32, i32, i32) {
    %c0_i32 = arith.constant 0 : i32
    %c0_i32_0 = arith.constant 0 : i32
    %c0_i32_1 = arith.constant 0 : i32
    return %c0_i32, %c0_i32_0, %arg0 : i32, i32, i32
  }
  func.func @transform_3(%arg0: i32) -> (i32, i32) {
    %c0_i32 = arith.constant 0 : i32
    %c0_i32_0 = arith.constant 0 : i32
    return %arg0, %c0_i32 : i32, i32
  }
}

module attributes {stable_mosaic.version = 14 : i64} {
  func.func @body(%arg0: i32, %arg1: memref<1280x128xf32, #tpu.memory_space<vmem>>, %arg2: memref<2x1280x128xf32, #tpu.memory_space<vmem>>, %arg3: memref<128x128xf32, #tpu.memory_space<vmem>>, %arg4: memref<1x128xf32, #tpu.memory_space<vmem>>, %arg5: memref<32x1x1280xf32, #tpu.memory_space<vmem>>, %arg6: memref<1280x128xf32, #tpu.memory_space<vmem>>) attributes {dimension_semantics = [#tpu.dimension_semantics<arbitrary>], iteration_bounds = array<i64: 8>, scalar_prefetch = 0 : i64, scratch_operands = 0 : i64, tpu.core_type = #tpu.core_type<tc>, window_params = [{transform_indices = @transform_0, window_bounds = array<i64: 1280, 128>}, {transform_indices = @transform_1, window_bounds = array<i64: 2, 1280, 128>}, {pipeline_mode = #tpu.pipeline_mode<synchronous>, transform_indices = @transform_2, window_bounds = array<i64: 128, 128>}, {pipeline_mode = #tpu.pipeline_mode<synchronous>, transform_indices = @transform_3, window_bounds = array<i64: 1, 128>}, {transform_indices = @transform_4, window_bounds = array<i64: 32, 1, 1280>}, {transform_indices = @transform_5, window_bounds = array<i64: 1280, 128>}]} {
    %get3A = arith.constant 0 : index
    %get3A_0 = arith.constant 0 : index
    %get3A_1 = arith.constant 0 : index
    %get3A_2 = vector.load %arg5[%get3A, %get3A_0, %get3A_1] : memref<32x1x1280xf32, #tpu.memory_space<vmem>>, vector<32x1x1280xf32>
    %get3A_3 = vector.shape_cast %get3A_2 : vector<32x1x1280xf32> to vector<32x1280xf32>
    %broadcast_in_dim3A = arith.constant 1.000000e+00 : f32
    %broadcast_in_dim3A_4 = vector.broadcast %broadcast_in_dim3A : f32 to vector<32x1xf32>
    %dot_general3A = arith.constant dense<0.000000e+00> : vector<1280x1xf32>
    %dot_general3A_5 = tpu.matmul %get3A_3, %broadcast_in_dim3A_4, %dot_general3A {dimension_numbers = #tpu.dot_dimension_numbers<[0], [0], [1], [1], [0, 1, 1, 1], [], []>, precision = #tpu.contract_precision<fp32>, transpose_lhs_hint = false} : vector<32x1280xf32>, vector<32x1xf32>, vector<1280x1xf32> -> vector<1280x1xf32>
    %add3A = arith.constant 1.000000e+00 : f32
    %add3A_6 = vector.broadcast %add3A : f32 to vector<1280x1xf32>
    %add3A_7 = arith.addf %dot_general3A_5, %add3A_6 : vector<1280x1xf32>
    %rsqrt3A = math.rsqrt %add3A_7 : vector<1280x1xf32>
    %get3A_8 = arith.constant 0 : index
    %get3A_9 = arith.constant 0 : index
    %get3A_10 = arith.constant 0 : index
    %get3A_11 = vector.load %arg2[%get3A_8, %get3A_9, %get3A_10] : memref<2x1280x128xf32, #tpu.memory_space<vmem>>, vector<1x1280x128xf32>
    %get3A_12 = vector.shape_cast %get3A_11 : vector<1x1280x128xf32> to vector<1280x128xf32>
    %get3A_13 = arith.constant 1 : index
    %get3A_14 = arith.constant 0 : index
    %get3A_15 = arith.constant 0 : index
    %get3A_16 = vector.load %arg2[%get3A_13, %get3A_14, %get3A_15] : memref<2x1280x128xf32, #tpu.memory_space<vmem>>, vector<1x1280x128xf32>
    %get3A_17 = vector.shape_cast %get3A_16 : vector<1x1280x128xf32> to vector<1280x128xf32>
    %add3A_18 = arith.addf %get3A_12, %get3A_17 : vector<1280x128xf32>
    %get3A_19 = arith.constant 0 : index
    %get3A_20 = arith.constant 0 : index
    %get3A_21 = vector.load %arg1[%get3A_19, %get3A_20] : memref<1280x128xf32, #tpu.memory_space<vmem>>, vector<1280x128xf32>
    %add3A_22 = arith.addf %add3A_18, %get3A_21 : vector<1280x128xf32>
    %mul3A = vector.broadcast %rsqrt3A : vector<1280x1xf32> to vector<1280x128xf32>
    %mul3A_23 = arith.mulf %add3A_22, %mul3A : vector<1280x128xf32>
    %get3A_24 = arith.constant 0 : index
    %get3A_25 = arith.constant 0 : index
    %get3A_26 = vector.load %arg4[%get3A_24, %get3A_25] : memref<1x128xf32, #tpu.memory_space<vmem>>, vector<1x128xf32>
    %add3A_27 = vector.broadcast %get3A_26 : vector<1x128xf32> to vector<1280x128xf32>
    %add3A_28 = arith.addf %mul3A_23, %add3A_27 : vector<1280x128xf32>
    %max3A = arith.constant 0.000000e+00 : f32
    %max3A_29 = vector.broadcast %max3A : f32 to vector<1280x128xf32>
    %max3A_30 = arith.maximumf %add3A_28, %max3A_29 : vector<1280x128xf32>
    %get3A_31 = arith.constant 0 : index
    %get3A_32 = arith.constant 0 : index
    %get3A_33 = vector.load %arg3[%get3A_31, %get3A_32] : memref<128x128xf32, #tpu.memory_space<vmem>>, vector<128x128xf32>
    %dot_general3A_34 = arith.constant dense<0.000000e+00> : vector<1280x128xf32>
    %dot_general3A_35 = tpu.matmul %max3A_30, %get3A_33, %dot_general3A_34 {dimension_numbers = #tpu.dot_dimension_numbers<[1], [0], [0], [1], [0, 0, 1, 1], [], []>, precision = #tpu.contract_precision<fp32>, transpose_lhs_hint = false} : vector<1280x128xf32>, vector<128x128xf32>, vector<1280x128xf32> -> vector<1280x128xf32>
    %mul3A_36 = vector.broadcast %rsqrt3A : vector<1280x1xf32> to vector<1280x128xf32>
    %mul3A_37 = arith.mulf %dot_general3A_35, %mul3A_36 : vector<1280x128xf32>
    %swap3A = arith.constant 0 : index
    %swap3A_38 = arith.constant 0 : index
    %swap3A_39 = vector.load %arg6[%swap3A, %swap3A_38] : memref<1280x128xf32, #tpu.memory_space<vmem>>, vector<1280x128xf32>
    tpu.vector_store %arg6[%swap3A, %swap3A_38], %mul3A_37 {strides = array<i32>} : memref<1280x128xf32, #tpu.memory_space<vmem>>, vector<1280x128xf32>,
    return
  }
  func.func @transform_0(%arg0: i32) -> (i32, i32) {
    %c0_i32 = arith.constant 0 : i32
    %c0_i32_0 = arith.constant 0 : i32
    return %arg0, %c0_i32 : i32, i32
  }
  func.func @transform_1(%arg0: i32) -> (i32, i32, i32) {
    %c0_i32 = arith.constant 0 : i32
    %c0_i32_0 = arith.constant 0 : i32
    %c0_i32_1 = arith.constant 0 : i32
    return %c0_i32, %arg0, %c0_i32_0 : i32, i32, i32
  }
  func.func @transform_2(%arg0: i32) -> (i32, i32) {
    %c0_i32 = arith.constant 0 : i32
    %c0_i32_0 = arith.constant 0 : i32
    %c0_i32_1 = arith.constant 0 : i32
    return %c0_i32, %c0_i32_0 : i32, i32
  }
  func.func @transform_3(%arg0: i32) -> (i32, i32) {
    %c0_i32 = arith.constant 0 : i32
    %c0_i32_0 = arith.constant 0 : i32
    %c0_i32_1 = arith.constant 0 : i32
    return %c0_i32, %c0_i32_0 : i32, i32
  }
  func.func @transform_4(%arg0: i32) -> (i32, i32, i32) {
    %c0_i32 = arith.constant 0 : i32
    %c0_i32_0 = arith.constant 0 : i32
    %c0_i32_1 = arith.constant 0 : i32
    return %c0_i32, %c0_i32_0, %arg0 : i32, i32, i32
  }
  func.func @transform_5(%arg0: i32) -> (i32, i32) {
    %c0_i32 = arith.constant 0 : i32
    %c0_i32_0 = arith.constant 0 : i32
    return %arg0, %c0_i32 : i32, i32
  }
}

module attributes {stable_mosaic.version = 14 : i64} {
  func.func @body(%arg0: i32, %arg1: memref<1280x128xf32, #tpu.memory_space<vmem>>, %arg2: memref<2x1280x128xf32, #tpu.memory_space<vmem>>, %arg3: memref<1x128xf32, #tpu.memory_space<vmem>>, %arg4: memref<32x1x1280xf32, #tpu.memory_space<vmem>>, %arg5: memref<1x1x1280xi32, #tpu.memory_space<vmem>>, %arg6: memref<64x128xf32, #tpu.memory_space<vmem>>, %arg7: memref<64x128xf32, #tpu.memory_space<vmem>>, %arg8: memref<64x1xf32, #tpu.memory_space<vmem>>) attributes {dimension_semantics = [#tpu.dimension_semantics<arbitrary>], iteration_bounds = array<i64: 8>, scalar_prefetch = 0 : i64, scratch_operands = 2 : i64, tpu.core_type = #tpu.core_type<tc>, window_params = [{transform_indices = @transform_0, window_bounds = array<i64: 1280, 128>}, {transform_indices = @transform_1, window_bounds = array<i64: 2, 1280, 128>}, {pipeline_mode = #tpu.pipeline_mode<synchronous>, transform_indices = @transform_2, window_bounds = array<i64: 1, 128>}, {transform_indices = @transform_3, window_bounds = array<i64: 32, 1, 1280>}, {transform_indices = @transform_4, window_bounds = array<i64: 1, 1, 1280>}, {pipeline_mode = #tpu.pipeline_mode<synchronous>, transform_indices = @transform_5, window_bounds = array<i64: 64, 128>}]} {
    %get3A = arith.constant 0 : index
    %get3A_0 = arith.constant 0 : index
    %get3A_1 = arith.constant 0 : index
    %get3A_2 = vector.load %arg4[%get3A, %get3A_0, %get3A_1] : memref<32x1x1280xf32, #tpu.memory_space<vmem>>, vector<32x1x1280xf32>
    %get3A_3 = vector.shape_cast %get3A_2 : vector<32x1x1280xf32> to vector<32x1280xf32>
    %broadcast_in_dim3A = arith.constant 1.000000e+00 : f32
    %broadcast_in_dim3A_4 = vector.broadcast %broadcast_in_dim3A : f32 to vector<32x1xf32>
    %dot_general3A = arith.constant dense<0.000000e+00> : vector<1280x1xf32>
    %dot_general3A_5 = tpu.matmul %get3A_3, %broadcast_in_dim3A_4, %dot_general3A {dimension_numbers = #tpu.dot_dimension_numbers<[0], [0], [1], [1], [0, 1, 1, 1], [], []>, precision = #tpu.contract_precision<fp32>, transpose_lhs_hint = false} : vector<32x1280xf32>, vector<32x1xf32>, vector<1280x1xf32> -> vector<1280x1xf32>
    %add3A = arith.constant 1.000000e+00 : f32
    %add3A_6 = vector.broadcast %add3A : f32 to vector<1280x1xf32>
    %add3A_7 = arith.addf %dot_general3A_5, %add3A_6 : vector<1280x1xf32>
    %rsqrt3A = math.rsqrt %add3A_7 : vector<1280x1xf32>
    %get3A_8 = arith.constant 0 : index
    %get3A_9 = arith.constant 0 : index
    %get3A_10 = arith.constant 0 : index
    %get3A_11 = vector.load %arg2[%get3A_8, %get3A_9, %get3A_10] : memref<2x1280x128xf32, #tpu.memory_space<vmem>>, vector<1x1280x128xf32>
    %get3A_12 = vector.shape_cast %get3A_11 : vector<1x1280x128xf32> to vector<1280x128xf32>
    %get3A_13 = arith.constant 1 : index
    %get3A_14 = arith.constant 0 : index
    %get3A_15 = arith.constant 0 : index
    %get3A_16 = vector.load %arg2[%get3A_13, %get3A_14, %get3A_15] : memref<2x1280x128xf32, #tpu.memory_space<vmem>>, vector<1x1280x128xf32>
    %get3A_17 = vector.shape_cast %get3A_16 : vector<1x1280x128xf32> to vector<1280x128xf32>
    %add3A_18 = arith.addf %get3A_12, %get3A_17 : vector<1280x128xf32>
    %get3A_19 = arith.constant 0 : index
    %get3A_20 = arith.constant 0 : index
    %get3A_21 = vector.load %arg1[%get3A_19, %get3A_20] : memref<1280x128xf32, #tpu.memory_space<vmem>>, vector<1280x128xf32>
    %add3A_22 = arith.addf %add3A_18, %get3A_21 : vector<1280x128xf32>
    %mul3A = vector.broadcast %rsqrt3A : vector<1280x1xf32> to vector<1280x128xf32>
    %mul3A_23 = arith.mulf %add3A_22, %mul3A : vector<1280x128xf32>
    %get3A_24 = arith.constant 0 : index
    %get3A_25 = arith.constant 0 : index
    %get3A_26 = vector.load %arg3[%get3A_24, %get3A_25] : memref<1x128xf32, #tpu.memory_space<vmem>>, vector<1x128xf32>
    %add3A_27 = vector.broadcast %get3A_26 : vector<1x128xf32> to vector<1280x128xf32>
    %add3A_28 = arith.addf %mul3A_23, %add3A_27 : vector<1280x128xf32>
    %max3A = arith.constant 0.000000e+00 : f32
    %max3A_29 = vector.broadcast %max3A : f32 to vector<1280x128xf32>
    %max3A_30 = arith.maximumf %add3A_28, %max3A_29 : vector<1280x128xf32>
    %get3A_31 = arith.constant 0 : index
    %get3A_32 = arith.constant 0 : index
    %get3A_33 = arith.constant 0 : index
    %get3A_34 = vector.load %arg5[%get3A_31, %get3A_32, %get3A_33] : memref<1x1x1280xi32, #tpu.memory_space<vmem>>, vector<1x1x1280xi32>
    %get3A_35 = vector.shape_cast %get3A_34 : vector<1x1x1280xi32> to vector<1x1280xi32>
    %iota3A = tpu.iota {dimensions = array<i32: 0>} : vector<64x1280xi32>
    %eq3A = vector.broadcast %get3A_35 : vector<1x1280xi32> to vector<64x1280xi32>
    %eq3A_36 = arith.cmpi eq, %eq3A, %iota3A : vector<64x1280xi32>
    %jit3A = arith.constant 1.000000e+00 : f32
    %jit3A_37 = arith.constant 0.000000e+00 : f32
    %broadcast_in_dim3A_38 = vector.broadcast %jit3A : f32 to vector<64x1280xf32>
    %broadcast_in_dim3A_39 = vector.broadcast %jit3A_37 : f32 to vector<64x1280xf32>
    %select_n3A = arith.select %eq3A_36, %broadcast_in_dim3A_38, %broadcast_in_dim3A_39 : vector<64x1280xi1>, vector<64x1280xf32>
    %eq3A_40 = arith.constant 0 : i32
    %eq3A_41 = arith.cmpi eq, %arg0, %eq3A_40 : i32
    %convert_element_type3A = arith.extui %eq3A_41 : i1 to i32
    %cond3A = arith.constant 0 : i32
    %cond3A_42 = arith.cmpi ne, %convert_element_type3A, %cond3A : i32
    scf.if %cond3A_42 {
      %broadcast_in_dim3A_65 = arith.constant 0.000000e+00 : f32
      %broadcast_in_dim3A_66 = vector.broadcast %broadcast_in_dim3A_65 : f32 to vector<64x128xf32>
      %swap3A_67 = arith.constant 0 : index
      %swap3A_68 = arith.constant 0 : index
      %swap3A_69 = vector.load %arg7[%swap3A_67, %swap3A_68] : memref<64x128xf32, #tpu.memory_space<vmem>>, vector<64x128xf32>
      tpu.vector_store %arg7[%swap3A_67, %swap3A_68], %broadcast_in_dim3A_66 {strides = array<i32>} : memref<64x128xf32, #tpu.memory_space<vmem>>, vector<64x128xf32>,
      %broadcast_in_dim3A_70 = arith.constant 0.000000e+00 : f32
      %broadcast_in_dim3A_71 = vector.broadcast %broadcast_in_dim3A_70 : f32 to vector<64x1xf32>
      %swap3A_72 = arith.constant 0 : index
      %swap3A_73 = arith.constant 0 : index
      %swap3A_74 = vector.load %arg8[%swap3A_72, %swap3A_73] : memref<64x1xf32, #tpu.memory_space<vmem>>, vector<64x1xf32>
      tpu.vector_store %arg8[%swap3A_72, %swap3A_73], %broadcast_in_dim3A_71 {strides = array<i32>} : memref<64x1xf32, #tpu.memory_space<vmem>>, vector<64x1xf32>,
    } else {
    }
    %get3A_43 = arith.constant 0 : index
    %get3A_44 = arith.constant 0 : index
    %get3A_45 = vector.load %arg7[%get3A_43, %get3A_44] : memref<64x128xf32, #tpu.memory_space<vmem>>, vector<64x128xf32>
    %dot_general3A_46 = arith.constant dense<0.000000e+00> : vector<64x128xf32>
    %dot_general3A_47 = tpu.matmul %select_n3A, %max3A_30, %dot_general3A_46 {dimension_numbers = #tpu.dot_dimension_numbers<[1], [0], [0], [1], [0, 0, 1, 1], [], []>, precision = #tpu.contract_precision<fp32>, transpose_lhs_hint = false} : vector<64x1280xf32>, vector<1280x128xf32>, vector<64x128xf32> -> vector<64x128xf32>
    %add3A_48 = arith.addf %get3A_45, %dot_general3A_47 : vector<64x128xf32>
    %swap3A = arith.constant 0 : index
    %swap3A_49 = arith.constant 0 : index
    %swap3A_50 = vector.load %arg7[%swap3A, %swap3A_49] : memref<64x128xf32, #tpu.memory_space<vmem>>, vector<64x128xf32>
    tpu.vector_store %arg7[%swap3A, %swap3A_49], %add3A_48 {strides = array<i32>} : memref<64x128xf32, #tpu.memory_space<vmem>>, vector<64x128xf32>,
    %get3A_51 = arith.constant 0 : index
    %get3A_52 = arith.constant 0 : index
    %get3A_53 = vector.load %arg8[%get3A_51, %get3A_52] : memref<64x1xf32, #tpu.memory_space<vmem>>, vector<64x1xf32>
    %reduce_sum3A = arith.constant dense<0.000000e+00> : vector<64xf32>
    %reduce_sum3A_54 = vector.multi_reduction <add>, %select_n3A, %reduce_sum3A [1] : vector<64x1280xf32> to vector<64xf32>
    %broadcast_in_dim3A_55 = vector.shape_cast %reduce_sum3A_54 : vector<64xf32> to vector<64x1xf32>
    %add3A_56 = arith.addf %get3A_53, %broadcast_in_dim3A_55 : vector<64x1xf32>
    %swap3A_57 = arith.constant 0 : index
    %swap3A_58 = arith.constant 0 : index
    %swap3A_59 = vector.load %arg8[%swap3A_57, %swap3A_58] : memref<64x1xf32, #tpu.memory_space<vmem>>, vector<64x1xf32>
    tpu.vector_store %arg8[%swap3A_57, %swap3A_58], %add3A_56 {strides = array<i32>} : memref<64x1xf32, #tpu.memory_space<vmem>>, vector<64x1xf32>,
    %eq3A_60 = arith.constant 7 : i32
    %eq3A_61 = arith.cmpi eq, %arg0, %eq3A_60 : i32
    %convert_element_type3A_62 = arith.extui %eq3A_61 : i1 to i32
    %cond3A_63 = arith.constant 0 : i32
    %cond3A_64 = arith.cmpi ne, %convert_element_type3A_62, %cond3A_63 : i32
    scf.if %cond3A_64 {
      %get3A_65 = arith.constant 0 : index
      %get3A_66 = arith.constant 0 : index
      %get3A_67 = vector.load %arg7[%get3A_65, %get3A_66] : memref<64x128xf32, #tpu.memory_space<vmem>>, vector<64x128xf32>
      %get3A_68 = arith.constant 0 : index
      %get3A_69 = arith.constant 0 : index
      %get3A_70 = vector.load %arg8[%get3A_68, %get3A_69] : memref<64x1xf32, #tpu.memory_space<vmem>>, vector<64x1xf32>
      %max3A_71 = arith.constant 1.000000e+00 : f32
      %max3A_72 = vector.broadcast %max3A_71 : f32 to vector<64x1xf32>
      %max3A_73 = arith.maximumf %get3A_70, %max3A_72 : vector<64x1xf32>
      %div3A = vector.broadcast %max3A_73 : vector<64x1xf32> to vector<64x128xf32>
      %div3A_74 = arith.divf %get3A_67, %div3A : vector<64x128xf32>
      %swap3A_75 = arith.constant 0 : index
      %swap3A_76 = arith.constant 0 : index
      %swap3A_77 = vector.load %arg6[%swap3A_75, %swap3A_76] : memref<64x128xf32, #tpu.memory_space<vmem>>, vector<64x128xf32>
      tpu.vector_store %arg6[%swap3A_75, %swap3A_76], %div3A_74 {strides = array<i32>} : memref<64x128xf32, #tpu.memory_space<vmem>>, vector<64x128xf32>,
    } else {
    }
    return
  }
  func.func @transform_0(%arg0: i32) -> (i32, i32) {
    %c0_i32 = arith.constant 0 : i32
    %c0_i32_0 = arith.constant 0 : i32
    return %arg0, %c0_i32 : i32, i32
  }
  func.func @transform_1(%arg0: i32) -> (i32, i32, i32) {
    %c0_i32 = arith.constant 0 : i32
    %c0_i32_0 = arith.constant 0 : i32
    %c0_i32_1 = arith.constant 0 : i32
    return %c0_i32, %arg0, %c0_i32_0 : i32, i32, i32
  }
  func.func @transform_2(%arg0: i32) -> (i32, i32) {
    %c0_i32 = arith.constant 0 : i32
    %c0_i32_0 = arith.constant 0 : i32
    %c0_i32_1 = arith.constant 0 : i32
    return %c0_i32, %c0_i32_0 : i32, i32
  }
  func.func @transform_3(%arg0: i32) -> (i32, i32, i32) {
    %c0_i32 = arith.constant 0 : i32
    %c0_i32_0 = arith.constant 0 : i32
    %c0_i32_1 = arith.constant 0 : i32
    return %c0_i32, %c0_i32_0, %arg0 : i32, i32, i32
  }
  func.func @transform_4(%arg0: i32) -> (i32, i32, i32) {
    %c0_i32 = arith.constant 0 : i32
    %c0_i32_0 = arith.constant 0 : i32
    %c0_i32_1 = arith.constant 0 : i32
    return %arg0, %c0_i32, %c0_i32_0 : i32, i32, i32
  }
  func.func @transform_5(%arg0: i32) -> (i32, i32) {
    %c0_i32 = arith.constant 0 : i32
    %c0_i32_0 = arith.constant 0 : i32
    %c0_i32_1 = arith.constant 0 : i32
    return %c0_i32, %c0_i32_0 : i32, i32
  }
}

</mosaic_0001>

<sc_bundles>
// kernel: kernel.11.cloned.1.call-start
scs
__scs_entry_jumppad:
0x0: {  	(pc) =	sbr.rel $0x88, $3  }
0x1: {  	(tag) =	ssettag $0x0;
	lr =	simm.s32 $0x1  }
0x2: {  	[smem:$0x3F9A] =	sst lr;
	_ =	strace $0xD0000000  }
0x3: {  	_ = 	snop  }
0x4: {  	_ = 	snop  }
0x5: {  	_ = 	snop  }
0x6: {  	_ = 	snop  }
0x7: {  	_ = 	snop  }
__scs_overlays_trampoline_lowered:
0x8: {  	[smem:$0x3FA9] =	sst s0  }
0x9: {  	[smem:$0x3FAA] =	sst s1  }
0xa: {  	[smem:$0x3FAB] =	sst s2  }
0xb: {  	[smem:$0x3FAC] =	sst s3  }
0xc: {  	[smem:$0x3FAD] =	sst s4  }
0xd: {  	[smem:$0x3FAE] =	sst s5  }
0xe: {  	[smem:$0x3FAF] =	sst s6  }
0xf: {  	[smem:$0x3FB0] =	sst s7  }
0x10: {  	[smem:$0x3FB1] =	sst s8  }
0x11: {  	[smem:$0x3FB2] =	sst s9;
	s0 =	simm.s32 @!p0 $0x0  }
0x12: {  	s1 =	sld [smem:$0x3F98];
	s0 =	simm.s32 @p0 $0x1  }
0x13: {  	[smem:$0x3FB3] =	sst s0;
	s0 =	simm.s32 @!p1 $0x0  }
0x14: {  	s2 =	sld [smem:$0x3F97];
	s0 =	simm.s32 @p1 $0x1  }
0x15: {  	[smem:$0x3FB4] =	sst s0;
	s0 =	simm.s32 @!p2 $0x0  }
0x16: {  	s3 =	sld [smem:$0x3FDB];
	s0 =	simm.s32 @p2 $0x1  }
0x17: {  	s4 =	simm.s32 $0x1BF5;
	[smem:$0x3FB6] =	sst s0  }
0x18: {  	s0 =	sld [smem:$0x3F99];
	_ =	swait.ge [sflag:s4], $0x0  }
0x19: {  	s7 =	sld [smem:$0x3F9A]  }
0x1a: {  	s8 =	sadd.s32 $0xFFFFE003, lr  }
0x1b: {  	s9 =	sadd.s32 $0xFFFFFEF7, lr;
	s5 =	simm.s32 $0xFFFFFFFF;
	p2 =	slt.u32 s8, $0xFFFFF086  }
0x1c: {  	p1 =	slt.u32 s9, $0xF7A;
	s5 =	simm.s32 @!p2 $0x0  }
0x1d: {  	s5 =	simm.s32 @p1 $0x1;
	p0 =	seq.s32 s7, s2  }
0x1e: {  	s7 =	smul.u32 @!p0 $0xF7A, s2;
	p2 =	seq.s32 @!p0 s5, $0x0  }
0x1f: {  	s9 =	smul.u32 $0xF7A, s1;
	s8 =	simm.s32 @!p0 $0x1BF5;
	p2 =	por !p2, p0  }
0x20: {  	[sflag:s8] =	ssyncset.s32 @!p0 $0xFFFFF086;
	s6 =	sadd.s32 @!p0 s3, s7;
	s7 =	simm.s32 @!p0 $0x108  }
0x21: {  	s3 =	sadd.s32 s3, s9;
	s6 =	sadd.s32 @!p0 $0x88, s6;
	s7 =	simm.s32 @p2 $0x1082  }
0x22: {  	[simem:s7], [sflag:s8] =	dma.local @!p0 [hbm:s6], $0xF7A  }
0x23: {  	s9 =	sor.u32 $0xD0000000, s2;
	s6 =	simm.s32 $0x108;
	_ =	swait.ge @!p0 [sflag:s8], $0x0  }
0x24: {  	s3 =	sadd.s32 $0x88, s3;
	s6 =	simm.s32 @!p1 $0x1082;
	[sflag:s4] =	ssyncset.s32 $0xFFFFF086  }
0x25: {  	[simem:s6], [sflag:s4] =	dma.local [hbm:s3], $0xF7A  }
0x26: {  	[smem:$0x3F9A] =	sst s1;
	(tag) =	ssettag s2;
	_ =	strace s9  }
0x27: {  	s1 =	sld [smem:$0x3FAA]  }
0x28: {  	s2 =	sld [smem:$0x3FAB]  }
0x29: {  	s4 =	sld [smem:$0x3FAD]  }
0x2a: {  	p0 =	seq.s32 s5, $0x0;
	s5 =	sld [smem:$0x3FAE]  }
0x2b: {  	s6 =	sld [smem:$0x3FAF]  }
0x2c: {  	s7 =	sld [smem:$0x3FB0]  }
0x2d: {  	s3 =	simm.s32 $0x108;
	s8 =	sld [smem:$0x3FB1]  }
0x2e: {  	s3 =	simm.s32 @!p0 $0x1082;
	s9 =	sld [smem:$0x3FB2]  }
0x2f: {  	lr =	sadd.s32 s0, s3;
	s0 =	sld [smem:$0x3FA9]  }
0x30: {  	s3 =	sld [smem:$0x3FAC]  }
0x31: {  	[smem:$0x3FB5] =	sst s10  }
0x32: {  	s10 =	sld [smem:$0x3FB3];
	_ =	sdelay $0x3  }
0x33: {  	p0 =	seq.s32 s10, $0x1;
	s10 =	sld [smem:$0x3FB5];
	_ =	sdelay $0x3  }
0x34: {  	[smem:$0x3FB5] =	sst s10  }
0x35: {  	s10 =	sld [smem:$0x3FB4];
	_ =	sdelay $0x3  }
0x36: {  	p1 =	seq.s32 s10, $0x1;
	s10 =	sld [smem:$0x3FB5];
	_ =	sdelay $0x3  }
0x37: {  	[smem:$0x3FB5] =	sst s10  }
0x38: {  	s10 =	sld [smem:$0x3FB6]  }
0x39: {  	_ = 	snop;
	(pc) =	sbr.ind lr, $3  }
0x3a: {  	_ = 	snop  }
0x3b: {  	_ = 	snop  }
0x3c: {  	p2 =	seq.s32 s10, $0x1;
	s10 =	sld [smem:$0x3FB5]  }
0x3d: {  	_ =	shalt  }
0x3e: {  	_ =	shalt  }
0x3f: {  	_ =	shalt  }
0x40: {  	_ =	shalt  }
0x41: {  	_ =	shalt  }
0x42: {  	_ =	shalt  }
0x43: {  	_ =	shalt  }
0x44: {  	_ =	shalt  }
0x45: {  	_ =	shalt  }
0x46: {  	_ =	shalt  }
0x47: {  	_ =	shalt  }
0x48: {  	_ =	shalt  }
0x49: {  	_ =	shalt  }
0x4a: {  	_ =	shalt  }
0x4b: {  	_ =	shalt  }
0x4c: {  	_ =	shalt  }
0x4d: {  	_ =	shalt  }
0x4e: {  	_ =	shalt  }
0x4f: {  	_ =	shalt  }
0x50: {  	_ =	shalt  }
0x51: {  	_ =	shalt  }
0x52: {  	_ =	shalt  }
0x53: {  	_ =	shalt  }
0x54: {  	_ =	shalt  }
0x55: {  	_ =	shalt  }
0x56: {  	_ =	shalt  }
0x57: {  	_ =	shalt  }
0x58: {  	_ =	shalt  }
0x59: {  	_ =	shalt  }
0x5a: {  	_ =	shalt  }
0x5b: {  	_ =	shalt  }
0x5c: {  	_ =	shalt  }
0x5d: {  	_ =	shalt  }
0x5e: {  	_ =	shalt  }
0x5f: {  	_ =	shalt  }
0x60: {  	_ =	shalt  }
0x61: {  	_ =	shalt  }
0x62: {  	_ =	shalt  }
0x63: {  	_ =	shalt  }
0x64: {  	_ =	shalt  }
0x65: {  	_ =	shalt  }
0x66: {  	_ =	shalt  }
0x67: {  	_ =	shalt  }
0x68: {  	_ =	shalt  }
0x69: {  	_ =	shalt  }
0x6a: {  	_ =	shalt  }
0x6b: {  	_ =	shalt  }
0x6c: {  	_ =	shalt  }
0x6d: {  	_ =	shalt  }
0x6e: {  	_ =	shalt  }
0x6f: {  	_ =	shalt  }
0x70: {  	_ =	shalt  }
0x71: {  	_ =	shalt  }
0x72: {  	_ =	shalt  }
0x73: {  	_ =	shalt  }
0x74: {  	_ =	shalt  }
0x75: {  	_ =	shalt  }
0x76: {  	_ =	shalt  }
0x77: {  	_ =	shalt  }
0x78: {  	_ =	shalt  }
0x79: {  	_ =	shalt  }
0x7a: {  	_ =	shalt  }
0x7b: {  	_ =	shalt  }
0x7c: {  	_ =	shalt  }
0x7d: {  	_ =	shalt  }
0x7e: {  	_ =	shalt  }
0x7f: {  	_ =	shalt  }
0x80: {  	_ =	shalt  }
0x81: {  	_ =	shalt  }
0x82: {  	_ =	shalt  }
0x83: {  	_ =	shalt  }
0x84: {  	_ =	shalt  }
0x85: {  	_ =	shalt  }
0x86: {  	_ =	shalt  }
0x87: {  	_ =	shalt  }
.Lfunc_end0:
.L_simem_size_0:
called_computation.1_lowered:
.L_overlay_start_0:
0x88: {  	s2 =	sld [smem:$0x3FD9]  }
0x89: {  	s3 =	sld [smem:$0x3FFE];
	_ =	sdelay $0x1  }
0x8a: {  	s1 =	srdreg.scid  }
0x8b: {  	s0 =	sand.u32 $0x1, s1  }
0x8c: {  	s16 =	sshll.u32 s0, $0xA;
	s2 =	sadd.s32 s3, s2  }
0x8d: {  	s2 =	sadd.s32 s2, s16  }
0x8e: {  	[smem:$0x3FC1] =	sst s2  }
0x8f: {  	_ = 	snop  }
0x90: {  	(tm) =	ssettm $0x1  }
0x91: {  	s17 =	sld [smem:$0x3FFB];
	_ =	sdelay $0x3  }
0x92: {  	_ =	strace s17  }
0x93: {  	s2 =	sld [smem:$0x3FFC];
	_ =	sdelay $0x3  }
0x94: {  	_ =	strace s2  }
0x95: {  	s2 =	sld [smem:$0x3FFD];
	_ =	sdelay $0x3  }
0x96: {  	_ =	strace s2  }
0x97: {  	_ =	strace $0x8FFFFFFF  }
0x98: {  	s18 =	sld [smem:$0x3FDB];
	_ =	sdelay $0x1  }
0x99: {  	s19 =	simm.s32 $_scs_section_size  }
0x9a: {  	s4 =	simm.s32 $_size__tile_overlayer_lowered;
	s5 =	simm.s32 $_tile_overlayer_lowered  }
0x9b: {  	s22 =	simm.s32 $0x1BFF;
	s21 =	sshll.u32 s5, $0x1;
	s2 =	sadd.s32 s19, s18  }
0x9c: {  	s6 =	simm.s32 $0x0;
	s20 =	sshll.u32 s4, $0x1;
	s4 =	sadd.s32 s21, s2  }
0x9d: {  	[timem:s6], [sflag:s22] =	dma.local [hbm:s4], s20  }
0x9e: {  	_ =	swait.ge [sflag:s22], s20  }
0x9f: {  	s3 =	ssub.s32 $0x0, s20;
	[sflag:s22] =	ssyncset.done $0x0  }
0xa0: {  	[sflag:s22] =	ssyncadd.s32 s3;
	_ =	sdelay $0x1  }
0xa1: {  	s23 =	simm.s32 $0x1B8B  }
0xa2: {  	_ =	swait.ge [sflag:s23], $0x1  }
0xa3: {  	[sflag:s23] =	ssyncset.done $0x0  }
0xa4: {  	s25 =	simm.s32 $0x1B8E;
	s24 =	sld [smem:$0x3FFE];
	[sflag:s23] =	ssyncadd.s32 $0xFFFFFFFF  }
0xa5: {  	s26 =	simm.s32 $execute0_lowered;
	[smem:$0x3FD2] =	sst s25  }
0xa6: {  	s4 =	sshll.u32 s26, $0x1;
	_ =	strace $0x80000049;
	[dreg:$0x1] =	wrdreg $0xFFFFFFFF  }
0xa7: {  	s28 =	simm.s32 $_size_execute0_lowered;
	s2 =	sadd.s32 s2, s4;
	[dreg:$0x0] =	wrdreg $0x0  }
0xa8: {  	s4 =	sshll.u32 s28, $0x1;
	[dreg:$0x2] =	wrdreg s2  }
0xa9: {  	[dreg:$0x3] =	wrdreg s4  }
0xaa: {  	[dreg:$0x4] =	wrdreg $0xC0  }
0xab: {  	_ =	task [dreg:s6], $0x5FFFF  }
0xac: {  	[dreg:$0x1] =	wrdreg $0xFFFFFFFF  }
0xad: {  	[dreg:$0x0] =	wrdreg $0x60  }
0xae: {  	[dreg:$0x2] =	wrdreg s24  }
0xaf: {  	[dreg:$0x3] =	wrdreg $0xB8000  }
0xb0: {  	[dreg:$0x4] =	wrdreg $0x9  }
0xb1: {  	_ =	task.clear_ibuf [dreg:s6], $0x5FFFF;
	_ =	strace $0x90000049  }
0xb2: {  	s29 =	simm.s32 $0x9;
	_ =	strace $0x8000004B  }
0xb3: {  	_ =	swait.ge [sflag:s29], $0x1  }
0xb4: {  	[sflag:s29] =	ssyncadd.s32 $0xFFFFFFFF  }
0xb5: {  	_ =	strace $0x9000004B  }
0xb6: {  	_ =	sfence  }
0xb7: {  	s30 =	sld [smem:$0x0];
	_ =	sdelay $0x2  }
0xb8: {  	s31 =	sshll.u32 s1, $0xD;
	s1 =	sshrl.u32 s1, $0x2  }
0xb9: {  	s3 =	sand.u32 $0x4000, s31;
	s1 =	sadd.s32 s1, s30  }
0xba: {  	s0 =	sor.u32 s3, s0;
	s1 =	sshll.u32 s1, $0x11  }
0xbb: {  	s0 =	sor.u32 s1, s0  }
0xbc: {  	s0 =	sadd.s32 $0x8F2B, s0  }
0xbd: {  	[sflag:s0] =	ssyncadd.remote.s32 $0x1  }
0xbe: {  	_ =	sfence.sel $0xFFFF  }
0xbf: {  	[dreg:$0x0] =	wrdreg $0xFFFFFFFF;
	(pc) =	sbr.abs _section_cstart, $3  }
0xc0: {  	[dreg:$0x1] =	wrdreg $0xFFFFFFFF  }
0xc1: {  	_ =	task.clear_ibuf [dreg:s6], $0x2FFFF;
	_ =	strace $0x9FFFFFFF  }
0xc2: {  	(tm) =	ssettm $0x7FFFFFFF  }
0xc3: {  	_ =	shalt  }
tec
execute0_lowered:
.L_overlay_start_1:
0x0: {  	(tag) =	ssettag $0x1  }
0x1: {  	s6 =	rddreg [dreg:$0x0]  }
0x2: {  	s2 =	rddreg [dreg:$0x1]  }
0x3: {  	s0 =	rddreg [dreg:$0x2]  }
0x4: {  	s1 =	stileid.u32;
	s3 =	simm.s32 $0x0;
	s4 =	srdreg.scid  }
0x5: {  	s19 =	simm.s32 $0x7800;
	s20 =	simm.s32 $0x1;
	s7 =	smul.u32 $0x78, s1  }
0x6: {  	s21 =	simm.s32 $0x0;
	[smem:$0x7FF] =	sst s3;
	s25 =	smul.u32 $0x28, s1  }
0x7: {  	s8 =	sand.u32 $0x1, s4;
	s11 =	smul.u32 $0x14000, s1;
	s4 =	sadd.s32 $0x2C400, s6  }
0x8: {  	s5 =	sadd.s32 $0x17C00, s6;
	s28 =	smul.u32 $0x50000, s1;
	s30 =	sshll.u32 s1, $0x6  }
0x9: {  	s9 =	smul.u32 $0x140000, s8;
	p0 =	seq.s32 s8, $0x0;
	s8 =	ssub.s32 $0x2, s8  }
0xa: {  	_ =	strace $0x8000004A;
	s10 =	sadd.s32 $0x780, s25;
	s26 =	sshrl.u32 s8, $0x1  }
0xb: {  	s29 =	sshrl.u32 s28, $0x2;
	s10 =	smov.u32 @p0 s7;
	s9 =	sadd.s32 s11, s9  }
0xc: {  	s14 =	ssub.s32 s8, s26;
	s15 =	sadd.s32 s29, s2;
	s7 =	sshll.u32 s10, $0x4  }
0xd: {  	s9 =	sshrl.u32 s9, $0x3;
	s11 =	smax.u32 s14, $0x1;
	s31 =	sadd.s32 $0x4000, s15  }
0xe: {  	s16 =	sadd.s32 $0x8000, s15;
	s17 =	sadd.s32 $0xC000, s15;
	s18 =	sadd.s32 $0x10000, s15  }
0xf: {  	s12 =	sadd.s32 s7, s6;
	s13 =	sadd.s32 s9, s6;
	s6 =	simm.s32 $0x78  }
0x10: {  	s7 =	sor.u32 $0x1C02, s30;
	s14 =	sshrl.u32 s31, $0x3;
	s6 =	simm.s32 @!p0 $0x28  }
0x11: {  	s8 =	sadd.s32 $0x21C00, s12;
	s9 =	sadd.s32 $0xD400, s12;
	s10 =	sadd.s32 $0x54400, s13  }
0x12: {  	s12 =	sshrl.u32 s15, $0x3;
	s13 =	simm.s32 $0x2;
	s15 =	sshrl.u32 s16, $0x3  }
0x13: {  	s16 =	sshrl.u32 s17, $0x3;
	s17 =	sshrl.u32 s18, $0x3;
	s18 =	simm.s32 $0x80  }
.LBB2_1:
0x14: {  	[spmem:s12], [sflag:s7] =	dma.local [hbm:s5], $0x800  }
0x15: {  	_ =	swait.ge [sflag:s13], $0x800  }
0x16: {  	[sflag:s13] =	ssyncset.done $0x0  }
0x17: {  	[sflag:s13] =	ssyncadd.s32 $0xFFFFF800  }
0x18: {  	[spmem:s14], [sflag:s7] =	dma.local [hbm:s5], $0x800  }
0x19: {  	_ =	swait.ge [sflag:s13], $0x800  }
0x1a: {  	[sflag:s13] =	ssyncset.done $0x0  }
0x1b: {  	[sflag:s13] =	ssyncadd.s32 $0xFFFFF800  }
0x1c: {  	[spmem:s15], [sflag:s7] =	dma.local [hbm:s5], $0x800  }
0x1d: {  	_ =	swait.ge [sflag:s13], $0x800  }
0x1e: {  	[sflag:s13] =	ssyncset.done $0x0  }
0x1f: {  	[sflag:s13] =	ssyncadd.s32 $0xFFFFF800  }
0x20: {  	[spmem:s16], [sflag:s7] =	dma.local [hbm:s5], $0x800  }
0x21: {  	_ =	swait.ge [sflag:s13], $0x800  }
0x22: {  	[sflag:s13] =	ssyncset.done $0x0  }
0x23: {  	[sflag:s13] =	ssyncadd.s32 $0xFFFFF800  }
0x24: {  	[spmem:s17], [sflag:s7] =	dma.local [hbm:s5], $0x800  }
0x25: {  	_ =	swait.ge [sflag:s13], $0x800  }
0x26: {  	[sflag:s13] =	ssyncset.done $0x0  }
0x27: {  	[sflag:s13] =	ssyncadd.s32 $0xFFFFF800  }
0x28: {  	[tilespmem:s3], [sflag:$0x2] =	stream.linear.gather [hbm4b:s8+s3], $0x3C00, $0x38;
	[tilespmem:$0x1F800] =	vst v63  }
0x29: {  	_ =	swait.ge [sflag:s13], $0x3C00  }
0x2a: {  	[sflag:s13] =	ssyncset.done $0x0  }
0x2b: {  	s22 =	simm.s32 $0x3C00;
	[sflag:s13] =	ssyncadd.s32 $0xFFFFC400  }
0x2c: {  	[tilespmem:s22], [sflag:$0x2] =	stream.linear.gather [hbm4b:s9+s3], $0x3C00, $0x38;
	[tilespmem:$0x1F800] =	vst v63  }
0x2d: {  	_ =	swait.ge [sflag:s13], $0x3C00  }
0x2e: {  	[sflag:s13] =	ssyncset.done $0x0  }
0x2f: {  	[sflag:s13] =	ssyncadd.s32 $0xFFFFC400  }
0x30: {  	[bflag:$0x0] =	sbarrier.arrive $0xFFFF  }
0x31: {  	[tilespmem:s19], [sflag:$0x1] =	stream.indirect.gather [hbm4b:s4+s18], $0x80, s3, s18, $0xb8;
	[tilespmem:$0x1F800] =	vst v63  }
0x32: {  	p0 =	sne.s32 s6, $0x1;
	_ =	swait.ge [sflag:s20], $0x4000  }
.Ltmp0:
0x33: {  	[sflag:s20] =	ssyncset.done $0x0;
	(pc) =	sbr.rel @!p0 .LBB2_3-.Ltmp0, $4  }
0x34: {  	[sflag:s20] =	ssyncadd.s32 $0xFFFFC000  }
0x35: {  	[spmem:s2] =	stream.indirect.scatter.add.f32 [tilespmem:s19], [sflag:$0x2], $0x80, s22, s18, $0xb8;
	[tilespmem:$0x1F800] =	vst v63  }
0x36: {  	_ =	swait.ge [sflag:s13], $0x4000  }
0x37: {  	s23 =	sadd.s32 $0xFFFFFFFF, s6;
	s24 =	simm.s32 $0x0;
	[sflag:s13] =	ssyncset.done $0x0  }
.LBB2_2:
0x38: {  	[sflag:s13] =	ssyncadd.s32 $0xFFFFC000;
	s24 =	sadd.s32 $0x80, s24;
	s22 =	sadd.s32 $0x80, s22  }
0x39: {  	[tilespmem:s19], [sflag:$0x1] =	stream.indirect.gather [hbm4b:s4+s18], $0x80, s24, s18, $0xb8;
	[tilespmem:$0x1F800] =	vst v63  }
0x3a: {  	p0 =	sne.s32 s23, $0x1;
	s23 =	sadd.s32 $0xFFFFFFFF, s23;
	_ =	swait.ge [sflag:s20], $0x4000  }
.Ltmp1:
0x3b: {  	[sflag:s20] =	ssyncset.done $0x0;
	(pc) =	sbr.rel @p0 .LBB2_2-.Ltmp1, $4  }
0x3c: {  	[sflag:s20] =	ssyncadd.s32 $0xFFFFC000  }
0x3d: {  	[spmem:s2] =	stream.indirect.scatter.add.f32 [tilespmem:s19], [sflag:$0x2], $0x80, s22, s18, $0xb8;
	[tilespmem:$0x1F800] =	vst v63  }
0x3e: {  	_ =	swait.ge [sflag:s13], $0x4000  }
0x3f: {  	[sflag:s13] =	ssyncset.done $0x0  }
.LBB2_3:
0x40: {  	s21 =	sadd.s32 $0x1, s21  }
0x41: {  	[sflag:s13] =	ssyncadd.s32 $0xFFFFC000;
	p0 =	sne.s32 s21, s11  }
.Ltmp2:
0x42: {  	[bflag:$0x0] =	sbarrier.arrive $0xFFFF;
	(pc) =	sbr.rel @p0 .LBB2_1-.Ltmp2, $4  }
0x43: {  	[hbm:s10], [sflag:s7] =	dma.local [spmem:s12], $0x2800  }
0x44: {  	_ =	swait.ge [sflag:s13], $0x2800  }
0x45: {  	[sflag:s13] =	ssyncset.done $0x0  }
0x46: {  	[sflag:s13] =	ssyncadd.s32 $0xFFFFD800  }
0x47: {  	_ =	sfence.sel $0x180000  }
0x48: {  	[bflag:$0x0] =	sbarrier.arrive $0xFFFF  }
0x49: {  	p0 =	sne.s32 s1, $0x0;
	_ =	strace $0x9000004A  }
0x4a: {  	s0 =	sadd.s32 @!p0 $0x100000, s0;
	[bflag:$0x2] =	sbarrier.arrive $0xFFFF  }
0x4b: {  	[sflag:s0] =	ssyncadd.tile.s32 @!p0 $0x1;
	_ =	shalt  }
.Lfunc_end2:
_tile_overlayer_lowered:
.L_overlay_start_2:
0x4c: {  	(tag) =	ssettag $0x2  }
0x4d: {  	s0 =	rddreg [dreg:$0x0];
	s2 =	stileid.u32  }
0x4e: {  	s1 =	rddreg [dreg:$0x1];
	p0 =	sne.s32 s2, $0x0  }
0x4f: {  	s3 =	rddreg [dreg:$0x2];
	[bflag:$0x3] =	sbarrier.arrive $0xFFFF;
	s2 =	simm.s32 @!p0 $0x1C02  }
0x50: {  	[timem:s3], [sflag:s2] =	dma.local @!p0 [hbm:s0], s1  }
0x51: {  	s0 =	simm.s32 @!p0 $0x2  }
0x52: {  	_ =	swait.ge @!p0 [sflag:s0], s1  }
0x53: {  	s1 =	ssub.s32 @!p0 $0x0, s1;
	[sflag:s0] =	ssyncset.done @!p0 $0x0  }
0x54: {  	[sflag:s0] =	ssyncadd.s32 @!p0 s1  }
0x55: {  	[bflag:$0x3] =	sbarrier.arrive $0xFFFF  }
0x56: {  	_ =	shalt  }

// kernel: kernel.14.cloned.1.call-start
scs
__scs_entry_jumppad:
0x0: {  	(pc) =	sbr.rel $0x88, $3  }
0x1: {  	(tag) =	ssettag $0x0;
	lr =	simm.s32 $0x1  }
0x2: {  	[smem:$0x3F9A] =	sst lr;
	_ =	strace $0xD0000000  }
0x3: {  	_ = 	snop  }
0x4: {  	_ = 	snop  }
0x5: {  	_ = 	snop  }
0x6: {  	_ = 	snop  }
0x7: {  	_ = 	snop  }
__scs_overlays_trampoline_lowered:
0x8: {  	[smem:$0x3FA9] =	sst s0  }
0x9: {  	[smem:$0x3FAA] =	sst s1  }
0xa: {  	[smem:$0x3FAB] =	sst s2  }
0xb: {  	[smem:$0x3FAC] =	sst s3  }
0xc: {  	[smem:$0x3FAD] =	sst s4  }
0xd: {  	[smem:$0x3FAE] =	sst s5  }
0xe: {  	[smem:$0x3FAF] =	sst s6  }
0xf: {  	[smem:$0x3FB0] =	sst s7  }
0x10: {  	[smem:$0x3FB1] =	sst s8  }
0x11: {  	[smem:$0x3FB2] =	sst s9;
	s0 =	simm.s32 @!p0 $0x0  }
0x12: {  	s1 =	sld [smem:$0x3F98];
	s0 =	simm.s32 @p0 $0x1  }
0x13: {  	[smem:$0x3FB3] =	sst s0;
	s0 =	simm.s32 @!p1 $0x0  }
0x14: {  	s2 =	sld [smem:$0x3F97];
	s0 =	simm.s32 @p1 $0x1  }
0x15: {  	[smem:$0x3FB4] =	sst s0;
	s0 =	simm.s32 @!p2 $0x0  }
0x16: {  	s3 =	sld [smem:$0x3FDB];
	s0 =	simm.s32 @p2 $0x1  }
0x17: {  	s4 =	simm.s32 $0x1BF5;
	[smem:$0x3FB6] =	sst s0  }
0x18: {  	s0 =	sld [smem:$0x3F99];
	_ =	swait.ge [sflag:s4], $0x0  }
0x19: {  	s7 =	sld [smem:$0x3F9A]  }
0x1a: {  	s8 =	sadd.s32 $0xFFFFE003, lr  }
0x1b: {  	s9 =	sadd.s32 $0xFFFFFEF7, lr;
	s5 =	simm.s32 $0xFFFFFFFF;
	p2 =	slt.u32 s8, $0xFFFFF086  }
0x1c: {  	p1 =	slt.u32 s9, $0xF7A;
	s5 =	simm.s32 @!p2 $0x0  }
0x1d: {  	s5 =	simm.s32 @p1 $0x1;
	p0 =	seq.s32 s7, s2  }
0x1e: {  	s7 =	smul.u32 @!p0 $0xF7A, s2;
	p2 =	seq.s32 @!p0 s5, $0x0  }
0x1f: {  	s9 =	smul.u32 $0xF7A, s1;
	s8 =	simm.s32 @!p0 $0x1BF5;
	p2 =	por !p2, p0  }
0x20: {  	[sflag:s8] =	ssyncset.s32 @!p0 $0xFFFFF086;
	s6 =	sadd.s32 @!p0 s3, s7;
	s7 =	simm.s32 @!p0 $0x108  }
0x21: {  	s3 =	sadd.s32 s3, s9;
	s6 =	sadd.s32 @!p0 $0x88, s6;
	s7 =	simm.s32 @p2 $0x1082  }
0x22: {  	[simem:s7], [sflag:s8] =	dma.local @!p0 [hbm:s6], $0xF7A  }
0x23: {  	s9 =	sor.u32 $0xD0000000, s2;
	s6 =	simm.s32 $0x108;
	_ =	swait.ge @!p0 [sflag:s8], $0x0  }
0x24: {  	s3 =	sadd.s32 $0x88, s3;
	s6 =	simm.s32 @!p1 $0x1082;
	[sflag:s4] =	ssyncset.s32 $0xFFFFF086  }
0x25: {  	[simem:s6], [sflag:s4] =	dma.local [hbm:s3], $0xF7A  }
0x26: {  	[smem:$0x3F9A] =	sst s1;
	(tag) =	ssettag s2;
	_ =	strace s9  }
0x27: {  	s1 =	sld [smem:$0x3FAA]  }
0x28: {  	s2 =	sld [smem:$0x3FAB]  }
0x29: {  	s4 =	sld [smem:$0x3FAD]  }
0x2a: {  	p0 =	seq.s32 s5, $0x0;
	s5 =	sld [smem:$0x3FAE]  }
0x2b: {  	s6 =	sld [smem:$0x3FAF]  }
0x2c: {  	s7 =	sld [smem:$0x3FB0]  }
0x2d: {  	s3 =	simm.s32 $0x108;
	s8 =	sld [smem:$0x3FB1]  }
0x2e: {  	s3 =	simm.s32 @!p0 $0x1082;
	s9 =	sld [smem:$0x3FB2]  }
0x2f: {  	lr =	sadd.s32 s0, s3;
	s0 =	sld [smem:$0x3FA9]  }
0x30: {  	s3 =	sld [smem:$0x3FAC]  }
0x31: {  	[smem:$0x3FB5] =	sst s10  }
0x32: {  	s10 =	sld [smem:$0x3FB3];
	_ =	sdelay $0x3  }
0x33: {  	p0 =	seq.s32 s10, $0x1;
	s10 =	sld [smem:$0x3FB5];
	_ =	sdelay $0x3  }
0x34: {  	[smem:$0x3FB5] =	sst s10  }
0x35: {  	s10 =	sld [smem:$0x3FB4];
	_ =	sdelay $0x3  }
0x36: {  	p1 =	seq.s32 s10, $0x1;
	s10 =	sld [smem:$0x3FB5];
	_ =	sdelay $0x3  }
0x37: {  	[smem:$0x3FB5] =	sst s10  }
0x38: {  	s10 =	sld [smem:$0x3FB6]  }
0x39: {  	_ = 	snop;
	(pc) =	sbr.ind lr, $3  }
0x3a: {  	_ = 	snop  }
0x3b: {  	_ = 	snop  }
0x3c: {  	p2 =	seq.s32 s10, $0x1;
	s10 =	sld [smem:$0x3FB5]  }
0x3d: {  	_ =	shalt  }
0x3e: {  	_ =	shalt  }
0x3f: {  	_ =	shalt  }
0x40: {  	_ =	shalt  }
0x41: {  	_ =	shalt  }
0x42: {  	_ =	shalt  }
0x43: {  	_ =	shalt  }
0x44: {  	_ =	shalt  }
0x45: {  	_ =	shalt  }
0x46: {  	_ =	shalt  }
0x47: {  	_ =	shalt  }
0x48: {  	_ =	shalt  }
0x49: {  	_ =	shalt  }
0x4a: {  	_ =	shalt  }
0x4b: {  	_ =	shalt  }
0x4c: {  	_ =	shalt  }
0x4d: {  	_ =	shalt  }
0x4e: {  	_ =	shalt  }
0x4f: {  	_ =	shalt  }
0x50: {  	_ =	shalt  }
0x51: {  	_ =	shalt  }
0x52: {  	_ =	shalt  }
0x53: {  	_ =	shalt  }
0x54: {  	_ =	shalt  }
0x55: {  	_ =	shalt  }
0x56: {  	_ =	shalt  }
0x57: {  	_ =	shalt  }
0x58: {  	_ =	shalt  }
0x59: {  	_ =	shalt  }
0x5a: {  	_ =	shalt  }
0x5b: {  	_ =	shalt  }
0x5c: {  	_ =	shalt  }
0x5d: {  	_ =	shalt  }
0x5e: {  	_ =	shalt  }
0x5f: {  	_ =	shalt  }
0x60: {  	_ =	shalt  }
0x61: {  	_ =	shalt  }
0x62: {  	_ =	shalt  }
0x63: {  	_ =	shalt  }
0x64: {  	_ =	shalt  }
0x65: {  	_ =	shalt  }
0x66: {  	_ =	shalt  }
0x67: {  	_ =	shalt  }
0x68: {  	_ =	shalt  }
0x69: {  	_ =	shalt  }
0x6a: {  	_ =	shalt  }
0x6b: {  	_ =	shalt  }
0x6c: {  	_ =	shalt  }
0x6d: {  	_ =	shalt  }
0x6e: {  	_ =	shalt  }
0x6f: {  	_ =	shalt  }
0x70: {  	_ =	shalt  }
0x71: {  	_ =	shalt  }
0x72: {  	_ =	shalt  }
0x73: {  	_ =	shalt  }
0x74: {  	_ =	shalt  }
0x75: {  	_ =	shalt  }
0x76: {  	_ =	shalt  }
0x77: {  	_ =	shalt  }
0x78: {  	_ =	shalt  }
0x79: {  	_ =	shalt  }
0x7a: {  	_ =	shalt  }
0x7b: {  	_ =	shalt  }
0x7c: {  	_ =	shalt  }
0x7d: {  	_ =	shalt  }
0x7e: {  	_ =	shalt  }
0x7f: {  	_ =	shalt  }
0x80: {  	_ =	shalt  }
0x81: {  	_ =	shalt  }
0x82: {  	_ =	shalt  }
0x83: {  	_ =	shalt  }
0x84: {  	_ =	shalt  }
0x85: {  	_ =	shalt  }
0x86: {  	_ =	shalt  }
0x87: {  	_ =	shalt  }
.Lfunc_end0:
.L_simem_size_0:
called_computation.2_lowered:
.L_overlay_start_0:
0x88: {  	s2 =	sld [smem:$0x3FD9]  }
0x89: {  	s3 =	sld [smem:$0x3FFE];
	_ =	sdelay $0x1  }
0x8a: {  	s1 =	srdreg.scid  }
0x8b: {  	s0 =	sand.u32 $0x1, s1  }
0x8c: {  	s16 =	sshll.u32 s0, $0xA;
	s2 =	sadd.s32 s3, s2  }
0x8d: {  	s2 =	sadd.s32 s2, s16  }
0x8e: {  	[smem:$0x3FC1] =	sst s2  }
0x8f: {  	_ = 	snop  }
0x90: {  	(tm) =	ssettm $0x1  }
0x91: {  	s17 =	sld [smem:$0x3FFB];
	_ =	sdelay $0x3  }
0x92: {  	_ =	strace s17  }
0x93: {  	s2 =	sld [smem:$0x3FFC];
	_ =	sdelay $0x3  }
0x94: {  	_ =	strace s2  }
0x95: {  	s2 =	sld [smem:$0x3FFD];
	_ =	sdelay $0x3  }
0x96: {  	_ =	strace s2  }
0x97: {  	_ =	strace $0x8FFFFFFF  }
0x98: {  	s18 =	sld [smem:$0x3FDB];
	_ =	sdelay $0x1  }
0x99: {  	s19 =	simm.s32 $_scs_section_size  }
0x9a: {  	s4 =	simm.s32 $_size__tile_overlayer_lowered;
	s5 =	simm.s32 $_tile_overlayer_lowered  }
0x9b: {  	s22 =	simm.s32 $0x1BFF;
	s21 =	sshll.u32 s5, $0x1;
	s2 =	sadd.s32 s19, s18  }
0x9c: {  	s6 =	simm.s32 $0x0;
	s20 =	sshll.u32 s4, $0x1;
	s4 =	sadd.s32 s21, s2  }
0x9d: {  	[timem:s6], [sflag:s22] =	dma.local [hbm:s4], s20  }
0x9e: {  	_ =	swait.ge [sflag:s22], s20  }
0x9f: {  	s3 =	ssub.s32 $0x0, s20;
	[sflag:s22] =	ssyncset.done $0x0  }
0xa0: {  	[sflag:s22] =	ssyncadd.s32 s3;
	_ =	sdelay $0x1  }
0xa1: {  	s23 =	simm.s32 $0x1B8B  }
0xa2: {  	_ =	swait.ge [sflag:s23], $0x1  }
0xa3: {  	[sflag:s23] =	ssyncset.done $0x0  }
0xa4: {  	s25 =	simm.s32 $0x1B8E;
	s24 =	sld [smem:$0x3FFE];
	[sflag:s23] =	ssyncadd.s32 $0xFFFFFFFF  }
0xa5: {  	s26 =	simm.s32 $execute0_lowered;
	[smem:$0x3FD2] =	sst s25  }
0xa6: {  	s4 =	sshll.u32 s26, $0x1;
	_ =	strace $0x8000004C;
	[dreg:$0x1] =	wrdreg $0xFFFFFFFF  }
0xa7: {  	s28 =	simm.s32 $_size_execute0_lowered;
	s2 =	sadd.s32 s2, s4;
	[dreg:$0x0] =	wrdreg $0x0  }
0xa8: {  	s4 =	sshll.u32 s28, $0x1;
	[dreg:$0x2] =	wrdreg s2  }
0xa9: {  	[dreg:$0x3] =	wrdreg s4  }
0xaa: {  	[dreg:$0x4] =	wrdreg $0xC0  }
0xab: {  	_ =	task [dreg:s6], $0x5FFFF  }
0xac: {  	[dreg:$0x1] =	wrdreg $0xFFFFFFFF  }
0xad: {  	[dreg:$0x0] =	wrdreg $0x60  }
0xae: {  	[dreg:$0x2] =	wrdreg s24  }
0xaf: {  	[dreg:$0x3] =	wrdreg $0xB8000  }
0xb0: {  	[dreg:$0x4] =	wrdreg $0x9  }
0xb1: {  	_ =	task.clear_ibuf [dreg:s6], $0x5FFFF;
	_ =	strace $0x9000004C  }
0xb2: {  	s29 =	simm.s32 $0x9;
	_ =	strace $0x8000004E  }
0xb3: {  	_ =	swait.ge [sflag:s29], $0x1  }
0xb4: {  	[sflag:s29] =	ssyncadd.s32 $0xFFFFFFFF  }
0xb5: {  	_ =	strace $0x9000004E  }
0xb6: {  	_ =	sfence  }
0xb7: {  	s30 =	sld [smem:$0x0];
	_ =	sdelay $0x2  }
0xb8: {  	s31 =	sshll.u32 s1, $0xD;
	s1 =	sshrl.u32 s1, $0x2  }
0xb9: {  	s3 =	sand.u32 $0x4000, s31;
	s1 =	sadd.s32 s1, s30  }
0xba: {  	s0 =	sor.u32 s3, s0;
	s1 =	sshll.u32 s1, $0x11  }
0xbb: {  	s0 =	sor.u32 s1, s0  }
0xbc: {  	s0 =	sadd.s32 $0x8F2B, s0  }
0xbd: {  	[sflag:s0] =	ssyncadd.remote.s32 $0x1  }
0xbe: {  	_ =	sfence.sel $0xFFFF  }
0xbf: {  	[dreg:$0x0] =	wrdreg $0xFFFFFFFF;
	(pc) =	sbr.abs _section_cstart, $3  }
0xc0: {  	[dreg:$0x1] =	wrdreg $0xFFFFFFFF  }
0xc1: {  	_ =	task.clear_ibuf [dreg:s6], $0x2FFFF;
	_ =	strace $0x9FFFFFFF  }
0xc2: {  	(tm) =	ssettm $0x7FFFFFFF  }
0xc3: {  	_ =	shalt  }
tec
execute0_lowered:
.L_overlay_start_1:
0x0: {  	(tag) =	ssettag $0x1  }
0x1: {  	s6 =	rddreg [dreg:$0x0]  }
0x2: {  	s2 =	rddreg [dreg:$0x1]  }
0x3: {  	s0 =	rddreg [dreg:$0x2]  }
0x4: {  	s1 =	stileid.u32;
	s3 =	simm.s32 $0x0;
	s4 =	srdreg.scid  }
0x5: {  	s19 =	simm.s32 $0x7800;
	s20 =	simm.s32 $0x1;
	s7 =	smul.u32 $0x78, s1  }
0x6: {  	s21 =	simm.s32 $0x0;
	[smem:$0x7FF] =	sst s3;
	s25 =	smul.u32 $0x28, s1  }
0x7: {  	s8 =	sand.u32 $0x1, s4;
	s11 =	smul.u32 $0x14000, s1;
	s4 =	sadd.s32 $0x2C400, s6  }
0x8: {  	s5 =	sadd.s32 $0x17C00, s6;
	s28 =	smul.u32 $0x50000, s1;
	s30 =	sshll.u32 s1, $0x6  }
0x9: {  	s9 =	smul.u32 $0x140000, s8;
	p0 =	seq.s32 s8, $0x0;
	s8 =	ssub.s32 $0x2, s8  }
0xa: {  	_ =	strace $0x8000004D;
	s10 =	sadd.s32 $0x780, s25;
	s26 =	sshrl.u32 s8, $0x1  }
0xb: {  	s29 =	sshrl.u32 s28, $0x2;
	s10 =	smov.u32 @p0 s7;
	s9 =	sadd.s32 s11, s9  }
0xc: {  	s14 =	ssub.s32 s8, s26;
	s15 =	sadd.s32 s29, s2;
	s7 =	sshll.u32 s10, $0x4  }
0xd: {  	s9 =	sshrl.u32 s9, $0x3;
	s11 =	smax.u32 s14, $0x1;
	s31 =	sadd.s32 $0x4000, s15  }
0xe: {  	s16 =	sadd.s32 $0x8000, s15;
	s17 =	sadd.s32 $0xC000, s15;
	s18 =	sadd.s32 $0x10000, s15  }
0xf: {  	s12 =	sadd.s32 s7, s6;
	s13 =	sadd.s32 s9, s6;
	s6 =	simm.s32 $0x78  }
0x10: {  	s7 =	sor.u32 $0x1C02, s30;
	s14 =	sshrl.u32 s31, $0x3;
	s6 =	simm.s32 @!p0 $0x28  }
0x11: {  	s8 =	sadd.s32 $0x21C00, s12;
	s9 =	sadd.s32 $0xD400, s12;
	s10 =	sadd.s32 $0x54400, s13  }
0x12: {  	s12 =	sshrl.u32 s15, $0x3;
	s13 =	simm.s32 $0x2;
	s15 =	sshrl.u32 s16, $0x3  }
0x13: {  	s16 =	sshrl.u32 s17, $0x3;
	s17 =	sshrl.u32 s18, $0x3;
	s18 =	simm.s32 $0x80  }
.LBB2_1:
0x14: {  	[spmem:s12], [sflag:s7] =	dma.local [hbm:s5], $0x800  }
0x15: {  	_ =	swait.ge [sflag:s13], $0x800  }
0x16: {  	[sflag:s13] =	ssyncset.done $0x0  }
0x17: {  	[sflag:s13] =	ssyncadd.s32 $0xFFFFF800  }
0x18: {  	[spmem:s14], [sflag:s7] =	dma.local [hbm:s5], $0x800  }
0x19: {  	_ =	swait.ge [sflag:s13], $0x800  }
0x1a: {  	[sflag:s13] =	ssyncset.done $0x0  }
0x1b: {  	[sflag:s13] =	ssyncadd.s32 $0xFFFFF800  }
0x1c: {  	[spmem:s15], [sflag:s7] =	dma.local [hbm:s5], $0x800  }
0x1d: {  	_ =	swait.ge [sflag:s13], $0x800  }
0x1e: {  	[sflag:s13] =	ssyncset.done $0x0  }
0x1f: {  	[sflag:s13] =	ssyncadd.s32 $0xFFFFF800  }
0x20: {  	[spmem:s16], [sflag:s7] =	dma.local [hbm:s5], $0x800  }
0x21: {  	_ =	swait.ge [sflag:s13], $0x800  }
0x22: {  	[sflag:s13] =	ssyncset.done $0x0  }
0x23: {  	[sflag:s13] =	ssyncadd.s32 $0xFFFFF800  }
0x24: {  	[spmem:s17], [sflag:s7] =	dma.local [hbm:s5], $0x800  }
0x25: {  	_ =	swait.ge [sflag:s13], $0x800  }
0x26: {  	[sflag:s13] =	ssyncset.done $0x0  }
0x27: {  	[sflag:s13] =	ssyncadd.s32 $0xFFFFF800  }
0x28: {  	[tilespmem:s3], [sflag:$0x2] =	stream.linear.gather [hbm4b:s8+s3], $0x3C00, $0x38;
	[tilespmem:$0x1F800] =	vst v63  }
0x29: {  	_ =	swait.ge [sflag:s13], $0x3C00  }
0x2a: {  	[sflag:s13] =	ssyncset.done $0x0  }
0x2b: {  	s22 =	simm.s32 $0x3C00;
	[sflag:s13] =	ssyncadd.s32 $0xFFFFC400  }
0x2c: {  	[tilespmem:s22], [sflag:$0x2] =	stream.linear.gather [hbm4b:s9+s3], $0x3C00, $0x38;
	[tilespmem:$0x1F800] =	vst v63  }
0x2d: {  	_ =	swait.ge [sflag:s13], $0x3C00  }
0x2e: {  	[sflag:s13] =	ssyncset.done $0x0  }
0x2f: {  	[sflag:s13] =	ssyncadd.s32 $0xFFFFC400  }
0x30: {  	[bflag:$0x0] =	sbarrier.arrive $0xFFFF  }
0x31: {  	[tilespmem:s19], [sflag:$0x1] =	stream.indirect.gather [hbm4b:s4+s18], $0x80, s3, s18, $0xb8;
	[tilespmem:$0x1F800] =	vst v63  }
0x32: {  	p0 =	sne.s32 s6, $0x1;
	_ =	swait.ge [sflag:s20], $0x4000  }
.Ltmp0:
0x33: {  	[sflag:s20] =	ssyncset.done $0x0;
	(pc) =	sbr.rel @!p0 .LBB2_3-.Ltmp0, $4  }
0x34: {  	[sflag:s20] =	ssyncadd.s32 $0xFFFFC000  }
0x35: {  	[spmem:s2] =	stream.indirect.scatter.add.f32 [tilespmem:s19], [sflag:$0x2], $0x80, s22, s18, $0xb8;
	[tilespmem:$0x1F800] =	vst v63  }
0x36: {  	_ =	swait.ge [sflag:s13], $0x4000  }
0x37: {  	s23 =	sadd.s32 $0xFFFFFFFF, s6;
	s24 =	simm.s32 $0x0;
	[sflag:s13] =	ssyncset.done $0x0  }
.LBB2_2:
0x38: {  	[sflag:s13] =	ssyncadd.s32 $0xFFFFC000;
	s24 =	sadd.s32 $0x80, s24;
	s22 =	sadd.s32 $0x80, s22  }
0x39: {  	[tilespmem:s19], [sflag:$0x1] =	stream.indirect.gather [hbm4b:s4+s18], $0x80, s24, s18, $0xb8;
	[tilespmem:$0x1F800] =	vst v63  }
0x3a: {  	p0 =	sne.s32 s23, $0x1;
	s23 =	sadd.s32 $0xFFFFFFFF, s23;
	_ =	swait.ge [sflag:s20], $0x4000  }
.Ltmp1:
0x3b: {  	[sflag:s20] =	ssyncset.done $0x0;
	(pc) =	sbr.rel @p0 .LBB2_2-.Ltmp1, $4  }
0x3c: {  	[sflag:s20] =	ssyncadd.s32 $0xFFFFC000  }
0x3d: {  	[spmem:s2] =	stream.indirect.scatter.add.f32 [tilespmem:s19], [sflag:$0x2], $0x80, s22, s18, $0xb8;
	[tilespmem:$0x1F800] =	vst v63  }
0x3e: {  	_ =	swait.ge [sflag:s13], $0x4000  }
0x3f: {  	[sflag:s13] =	ssyncset.done $0x0  }
.LBB2_3:
0x40: {  	s21 =	sadd.s32 $0x1, s21  }
0x41: {  	[sflag:s13] =	ssyncadd.s32 $0xFFFFC000;
	p0 =	sne.s32 s21, s11  }
.Ltmp2:
0x42: {  	[bflag:$0x0] =	sbarrier.arrive $0xFFFF;
	(pc) =	sbr.rel @p0 .LBB2_1-.Ltmp2, $4  }
0x43: {  	[hbm:s10], [sflag:s7] =	dma.local [spmem:s12], $0x2800  }
0x44: {  	_ =	swait.ge [sflag:s13], $0x2800  }
0x45: {  	[sflag:s13] =	ssyncset.done $0x0  }
0x46: {  	[sflag:s13] =	ssyncadd.s32 $0xFFFFD800  }
0x47: {  	_ =	sfence.sel $0x180000  }
0x48: {  	[bflag:$0x0] =	sbarrier.arrive $0xFFFF  }
0x49: {  	p0 =	sne.s32 s1, $0x0;
	_ =	strace $0x9000004D  }
0x4a: {  	s0 =	sadd.s32 @!p0 $0x100000, s0;
	[bflag:$0x2] =	sbarrier.arrive $0xFFFF  }
0x4b: {  	[sflag:s0] =	ssyncadd.tile.s32 @!p0 $0x1;
	_ =	shalt  }
.Lfunc_end2:
_tile_overlayer_lowered:
.L_overlay_start_2:
0x4c: {  	(tag) =	ssettag $0x2  }
0x4d: {  	s0 =	rddreg [dreg:$0x0];
	s2 =	stileid.u32  }
0x4e: {  	s1 =	rddreg [dreg:$0x1];
	p0 =	sne.s32 s2, $0x0  }
0x4f: {  	s3 =	rddreg [dreg:$0x2];
	[bflag:$0x3] =	sbarrier.arrive $0xFFFF;
	s2 =	simm.s32 @!p0 $0x1C02  }
0x50: {  	[timem:s3], [sflag:s2] =	dma.local @!p0 [hbm:s0], s1  }
0x51: {  	s0 =	simm.s32 @!p0 $0x2  }
0x52: {  	_ =	swait.ge @!p0 [sflag:s0], s1  }
0x53: {  	s1 =	ssub.s32 @!p0 $0x0, s1;
	[sflag:s0] =	ssyncset.done @!p0 $0x0  }
0x54: {  	[sflag:s0] =	ssyncadd.s32 @!p0 s1  }
0x55: {  	[bflag:$0x3] =	sbarrier.arrive $0xFFFF  }
0x56: {  	_ =	shalt  }

// kernel: kernel.8.cloned.1.call-start
scs
__scs_entry_jumppad:
0x0: {  	(pc) =	sbr.rel $0x88, $3  }
0x1: {  	(tag) =	ssettag $0x0;
	lr =	simm.s32 $0x1  }
0x2: {  	[smem:$0x3F9A] =	sst lr;
	_ =	strace $0xD0000000  }
0x3: {  	_ = 	snop  }
0x4: {  	_ = 	snop  }
0x5: {  	_ = 	snop  }
0x6: {  	_ = 	snop  }
0x7: {  	_ = 	snop  }
__scs_overlays_trampoline_lowered:
0x8: {  	[smem:$0x3FA9] =	sst s0  }
0x9: {  	[smem:$0x3FAA] =	sst s1  }
0xa: {  	[smem:$0x3FAB] =	sst s2  }
0xb: {  	[smem:$0x3FAC] =	sst s3  }
0xc: {  	[smem:$0x3FAD] =	sst s4  }
0xd: {  	[smem:$0x3FAE] =	sst s5  }
0xe: {  	[smem:$0x3FAF] =	sst s6  }
0xf: {  	[smem:$0x3FB0] =	sst s7  }
0x10: {  	[smem:$0x3FB1] =	sst s8  }
0x11: {  	[smem:$0x3FB2] =	sst s9;
	s0 =	simm.s32 @!p0 $0x0  }
0x12: {  	s1 =	sld [smem:$0x3F98];
	s0 =	simm.s32 @p0 $0x1  }
0x13: {  	[smem:$0x3FB3] =	sst s0;
	s0 =	simm.s32 @!p1 $0x0  }
0x14: {  	s2 =	sld [smem:$0x3F97];
	s0 =	simm.s32 @p1 $0x1  }
0x15: {  	[smem:$0x3FB4] =	sst s0;
	s0 =	simm.s32 @!p2 $0x0  }
0x16: {  	s3 =	sld [smem:$0x3FDB];
	s0 =	simm.s32 @p2 $0x1  }
0x17: {  	s4 =	simm.s32 $0x1BF5;
	[smem:$0x3FB6] =	sst s0  }
0x18: {  	s0 =	sld [smem:$0x3F99];
	_ =	swait.ge [sflag:s4], $0x0  }
0x19: {  	s7 =	sld [smem:$0x3F9A]  }
0x1a: {  	s8 =	sadd.s32 $0xFFFFE003, lr  }
0x1b: {  	s9 =	sadd.s32 $0xFFFFFEF7, lr;
	s5 =	simm.s32 $0xFFFFFFFF;
	p2 =	slt.u32 s8, $0xFFFFF086  }
0x1c: {  	p1 =	slt.u32 s9, $0xF7A;
	s5 =	simm.s32 @!p2 $0x0  }
0x1d: {  	s5 =	simm.s32 @p1 $0x1;
	p0 =	seq.s32 s7, s2  }
0x1e: {  	s7 =	smul.u32 @!p0 $0xF7A, s2;
	p2 =	seq.s32 @!p0 s5, $0x0  }
0x1f: {  	s9 =	smul.u32 $0xF7A, s1;
	s8 =	simm.s32 @!p0 $0x1BF5;
	p2 =	por !p2, p0  }
0x20: {  	[sflag:s8] =	ssyncset.s32 @!p0 $0xFFFFF086;
	s6 =	sadd.s32 @!p0 s3, s7;
	s7 =	simm.s32 @!p0 $0x108  }
0x21: {  	s3 =	sadd.s32 s3, s9;
	s6 =	sadd.s32 @!p0 $0x88, s6;
	s7 =	simm.s32 @p2 $0x1082  }
0x22: {  	[simem:s7], [sflag:s8] =	dma.local @!p0 [hbm:s6], $0xF7A  }
0x23: {  	s9 =	sor.u32 $0xD0000000, s2;
	s6 =	simm.s32 $0x108;
	_ =	swait.ge @!p0 [sflag:s8], $0x0  }
0x24: {  	s3 =	sadd.s32 $0x88, s3;
	s6 =	simm.s32 @!p1 $0x1082;
	[sflag:s4] =	ssyncset.s32 $0xFFFFF086  }
0x25: {  	[simem:s6], [sflag:s4] =	dma.local [hbm:s3], $0xF7A  }
0x26: {  	[smem:$0x3F9A] =	sst s1;
	(tag) =	ssettag s2;
	_ =	strace s9  }
0x27: {  	s1 =	sld [smem:$0x3FAA]  }
0x28: {  	s2 =	sld [smem:$0x3FAB]  }
0x29: {  	s4 =	sld [smem:$0x3FAD]  }
0x2a: {  	p0 =	seq.s32 s5, $0x0;
	s5 =	sld [smem:$0x3FAE]  }
0x2b: {  	s6 =	sld [smem:$0x3FAF]  }
0x2c: {  	s7 =	sld [smem:$0x3FB0]  }
0x2d: {  	s3 =	simm.s32 $0x108;
	s8 =	sld [smem:$0x3FB1]  }
0x2e: {  	s3 =	simm.s32 @!p0 $0x1082;
	s9 =	sld [smem:$0x3FB2]  }
0x2f: {  	lr =	sadd.s32 s0, s3;
	s0 =	sld [smem:$0x3FA9]  }
0x30: {  	s3 =	sld [smem:$0x3FAC]  }
0x31: {  	[smem:$0x3FB5] =	sst s10  }
0x32: {  	s10 =	sld [smem:$0x3FB3];
	_ =	sdelay $0x3  }
0x33: {  	p0 =	seq.s32 s10, $0x1;
	s10 =	sld [smem:$0x3FB5];
	_ =	sdelay $0x3  }
0x34: {  	[smem:$0x3FB5] =	sst s10  }
0x35: {  	s10 =	sld [smem:$0x3FB4];
	_ =	sdelay $0x3  }
0x36: {  	p1 =	seq.s32 s10, $0x1;
	s10 =	sld [smem:$0x3FB5];
	_ =	sdelay $0x3  }
0x37: {  	[smem:$0x3FB5] =	sst s10  }
0x38: {  	s10 =	sld [smem:$0x3FB6]  }
0x39: {  	_ = 	snop;
	(pc) =	sbr.ind lr, $3  }
0x3a: {  	_ = 	snop  }
0x3b: {  	_ = 	snop  }
0x3c: {  	p2 =	seq.s32 s10, $0x1;
	s10 =	sld [smem:$0x3FB5]  }
0x3d: {  	_ =	shalt  }
0x3e: {  	_ =	shalt  }
0x3f: {  	_ =	shalt  }
0x40: {  	_ =	shalt  }
0x41: {  	_ =	shalt  }
0x42: {  	_ =	shalt  }
0x43: {  	_ =	shalt  }
0x44: {  	_ =	shalt  }
0x45: {  	_ =	shalt  }
0x46: {  	_ =	shalt  }
0x47: {  	_ =	shalt  }
0x48: {  	_ =	shalt  }
0x49: {  	_ =	shalt  }
0x4a: {  	_ =	shalt  }
0x4b: {  	_ =	shalt  }
0x4c: {  	_ =	shalt  }
0x4d: {  	_ =	shalt  }
0x4e: {  	_ =	shalt  }
0x4f: {  	_ =	shalt  }
0x50: {  	_ =	shalt  }
0x51: {  	_ =	shalt  }
0x52: {  	_ =	shalt  }
0x53: {  	_ =	shalt  }
0x54: {  	_ =	shalt  }
0x55: {  	_ =	shalt  }
0x56: {  	_ =	shalt  }
0x57: {  	_ =	shalt  }
0x58: {  	_ =	shalt  }
0x59: {  	_ =	shalt  }
0x5a: {  	_ =	shalt  }
0x5b: {  	_ =	shalt  }
0x5c: {  	_ =	shalt  }
0x5d: {  	_ =	shalt  }
0x5e: {  	_ =	shalt  }
0x5f: {  	_ =	shalt  }
0x60: {  	_ =	shalt  }
0x61: {  	_ =	shalt  }
0x62: {  	_ =	shalt  }
0x63: {  	_ =	shalt  }
0x64: {  	_ =	shalt  }
0x65: {  	_ =	shalt  }
0x66: {  	_ =	shalt  }
0x67: {  	_ =	shalt  }
0x68: {  	_ =	shalt  }
0x69: {  	_ =	shalt  }
0x6a: {  	_ =	shalt  }
0x6b: {  	_ =	shalt  }
0x6c: {  	_ =	shalt  }
0x6d: {  	_ =	shalt  }
0x6e: {  	_ =	shalt  }
0x6f: {  	_ =	shalt  }
0x70: {  	_ =	shalt  }
0x71: {  	_ =	shalt  }
0x72: {  	_ =	shalt  }
0x73: {  	_ =	shalt  }
0x74: {  	_ =	shalt  }
0x75: {  	_ =	shalt  }
0x76: {  	_ =	shalt  }
0x77: {  	_ =	shalt  }
0x78: {  	_ =	shalt  }
0x79: {  	_ =	shalt  }
0x7a: {  	_ =	shalt  }
0x7b: {  	_ =	shalt  }
0x7c: {  	_ =	shalt  }
0x7d: {  	_ =	shalt  }
0x7e: {  	_ =	shalt  }
0x7f: {  	_ =	shalt  }
0x80: {  	_ =	shalt  }
0x81: {  	_ =	shalt  }
0x82: {  	_ =	shalt  }
0x83: {  	_ =	shalt  }
0x84: {  	_ =	shalt  }
0x85: {  	_ =	shalt  }
0x86: {  	_ =	shalt  }
0x87: {  	_ =	shalt  }
.Lfunc_end0:
.L_simem_size_0:
called_computation_lowered:
.L_overlay_start_0:
0x88: {  	s2 =	sld [smem:$0x3FD9]  }
0x89: {  	s3 =	sld [smem:$0x3FFE];
	_ =	sdelay $0x1  }
0x8a: {  	s1 =	srdreg.scid  }
0x8b: {  	s0 =	sand.u32 $0x1, s1  }
0x8c: {  	s16 =	sshll.u32 s0, $0xA;
	s2 =	sadd.s32 s3, s2  }
0x8d: {  	s2 =	sadd.s32 s2, s16  }
0x8e: {  	[smem:$0x3FC1] =	sst s2  }
0x8f: {  	_ = 	snop  }
0x90: {  	(tm) =	ssettm $0x1  }
0x91: {  	s17 =	sld [smem:$0x3FFB];
	_ =	sdelay $0x3  }
0x92: {  	_ =	strace s17  }
0x93: {  	s2 =	sld [smem:$0x3FFC];
	_ =	sdelay $0x3  }
0x94: {  	_ =	strace s2  }
0x95: {  	s2 =	sld [smem:$0x3FFD];
	_ =	sdelay $0x3  }
0x96: {  	_ =	strace s2  }
0x97: {  	_ =	strace $0x8FFFFFFF  }
0x98: {  	s18 =	sld [smem:$0x3FDB];
	_ =	sdelay $0x1  }
0x99: {  	s19 =	simm.s32 $_scs_section_size  }
0x9a: {  	s4 =	simm.s32 $_size__tile_overlayer_lowered;
	s5 =	simm.s32 $_tile_overlayer_lowered  }
0x9b: {  	s22 =	simm.s32 $0x1BFF;
	s21 =	sshll.u32 s5, $0x1;
	s2 =	sadd.s32 s19, s18  }
0x9c: {  	s6 =	simm.s32 $0x0;
	s20 =	sshll.u32 s4, $0x1;
	s4 =	sadd.s32 s21, s2  }
0x9d: {  	[timem:s6], [sflag:s22] =	dma.local [hbm:s4], s20  }
0x9e: {  	_ =	swait.ge [sflag:s22], s20  }
0x9f: {  	s3 =	ssub.s32 $0x0, s20;
	[sflag:s22] =	ssyncset.done $0x0  }
0xa0: {  	[sflag:s22] =	ssyncadd.s32 s3;
	_ =	sdelay $0x1  }
0xa1: {  	s23 =	simm.s32 $0x1B8B  }
0xa2: {  	_ =	swait.ge [sflag:s23], $0x1  }
0xa3: {  	[sflag:s23] =	ssyncset.done $0x0  }
0xa4: {  	s25 =	simm.s32 $0x1B8E;
	s24 =	sld [smem:$0x3FFE];
	[sflag:s23] =	ssyncadd.s32 $0xFFFFFFFF  }
0xa5: {  	s26 =	simm.s32 $execute0_lowered;
	[smem:$0x3FD2] =	sst s25  }
0xa6: {  	s4 =	sshll.u32 s26, $0x1;
	_ =	strace $0x80000046;
	[dreg:$0x1] =	wrdreg $0xFFFFFFFF  }
0xa7: {  	s28 =	simm.s32 $_size_execute0_lowered;
	s2 =	sadd.s32 s2, s4;
	[dreg:$0x0] =	wrdreg $0x0  }
0xa8: {  	s4 =	sshll.u32 s28, $0x1;
	[dreg:$0x2] =	wrdreg s2  }
0xa9: {  	[dreg:$0x3] =	wrdreg s4  }
0xaa: {  	[dreg:$0x4] =	wrdreg $0xC0  }
0xab: {  	_ =	task [dreg:s6], $0x5FFFF  }
0xac: {  	[dreg:$0x1] =	wrdreg $0xFFFFFFFF  }
0xad: {  	[dreg:$0x0] =	wrdreg $0x60  }
0xae: {  	[dreg:$0x2] =	wrdreg s24  }
0xaf: {  	[dreg:$0x3] =	wrdreg $0x9  }
0xb0: {  	_ =	task.clear_ibuf [dreg:s6], $0x4FFFF;
	_ =	strace $0x90000046  }
0xb1: {  	s29 =	simm.s32 $0x9;
	_ =	strace $0x80000048  }
0xb2: {  	_ =	swait.ge [sflag:s29], $0x1  }
0xb3: {  	[sflag:s29] =	ssyncadd.s32 $0xFFFFFFFF  }
0xb4: {  	_ =	strace $0x90000048  }
0xb5: {  	_ =	sfence  }
0xb6: {  	s30 =	sld [smem:$0x0];
	_ =	sdelay $0x2  }
0xb7: {  	s31 =	sshll.u32 s1, $0xD;
	s1 =	sshrl.u32 s1, $0x2  }
0xb8: {  	s3 =	sand.u32 $0x4000, s31;
	s1 =	sadd.s32 s1, s30  }
0xb9: {  	s0 =	sor.u32 s3, s0;
	s1 =	sshll.u32 s1, $0x11  }
0xba: {  	s0 =	sor.u32 s1, s0  }
0xbb: {  	s0 =	sadd.s32 $0x8F2B, s0  }
0xbc: {  	[sflag:s0] =	ssyncadd.remote.s32 $0x1  }
0xbd: {  	_ =	sfence.sel $0xFFFF  }
0xbe: {  	[dreg:$0x0] =	wrdreg $0xFFFFFFFF;
	(pc) =	sbr.abs _section_cstart, $3  }
0xbf: {  	[dreg:$0x1] =	wrdreg $0xFFFFFFFF  }
0xc0: {  	_ =	task.clear_ibuf [dreg:s6], $0x2FFFF;
	_ =	strace $0x9FFFFFFF  }
0xc1: {  	(tm) =	ssettm $0x7FFFFFFF  }
tec
execute0_lowered:
.L_overlay_start_1:
0x0: {  	(tag) =	ssettag $0x1  }
0x1: {  	s4 =	rddreg [dreg:$0x0]  }
0x2: {  	s0 =	rddreg [dreg:$0x1];
	s1 =	stileid.u32  }
0x3: {  	s2 =	simm.s32 $0x0;
	s3 =	srdreg.scid;
	s9 =	simm.s32 $0x0  }
0x4: {  	s5 =	smul.u32 $0x28, s1;
	[smem:$0x7FF] =	sst s2;
	s3 =	sand.u32 $0x1, s3  }
0x5: {  	s6 =	smul.u32 $0x78, s1;
	p0 =	seq.s32 s3, $0x0;
	s7 =	sshll.u32 s3, $0x4  }
0x6: {  	_ =	strace $0x80000047;
	s31 =	ssub.s32 $0x2, s3;
	s5 =	sadd.s32 $0x780, s5  }
0x7: {  	s3 =	simm.s32 $0x78;
	s30 =	sor.u32 s1, s7;
	s5 =	smov.u32 @p0 s6  }
0x8: {  	s8 =	sshrl.u32 s31, $0x1;
	s6 =	smul.u32 $0x500, s30;
	s5 =	sshll.u32 s5, $0x4  }
0x9: {  	s3 =	simm.s32 @!p0 $0x28;
	s7 =	ssub.s32 s31, s8;
	s5 =	sadd.s32 s5, s4  }
0xa: {  	s8 =	simm.s32 $0x3C00;
	s6 =	sadd.s32 s6, s4;
	s4 =	sadd.s32 $0x2C00, s5  }
0xb: {  	v0 =	vimm.f32 $0.0e+00;
	v1 =	vimm.f32 $1.000000000e+00;
	s5 =	sadd.s32 $0x17C00, s6;
	s6 =	smax.u32 s7, $0x1;
	s7 =	simm.s32 $0x1  }
.LBB2_1:
0xc: {  	[tilespmem:s2], [sflag:$0x1] =	stream.linear.gather [hbm4b:s4+s2], $0x3C00, $0x38;
	[tilespmem:$0x6400] =	vst v63  }
0xd: {  	_ =	swait.ge [sflag:s7], $0x3C00  }
0xe: {  	[sflag:s7] =	ssyncset.done $0x0  }
0xf: {  	s10 =	simm.s32 $0x0;
	[sflag:s7] =	ssyncadd.s32 $0xFFFFC400  }
.LBB2_2:
0x10: {  	p0 =	sne.s32 s10, $0x9FC0  }
.Ltmp0:
0x11: {  	_ = 	snop;
	(pc) =	sbr.rel @p0 .LBB2_2-.Ltmp0, $3  }
0x12: {  	_ =	sdelay $0x1  }
0x13: {  	s11 =	sshra.s32 s10, $0x2  }
0x14: {  	s10 =	sadd.s32 $0x40, s10;
	[tilespmem:s11+$0x3C00] =	vst v0  }
0x15: {  	s10 =	simm.s32 $0x40;
	s11 =	smov.u32 s3  }
.LBB2_4:
0x16: {  	v2 =	vld [tilespmem:s10+$0xFFFFFFC0];
	_ =	sdelay $0x7  }
0x17: {  	[tilespmem:v2+s8+$0x0] =	vst.idx.add.f32.msk $0xffff, v1  }
0x18: {  	v2 =	vld [tilespmem:s10+$0xFFFFFFD0];
	_ =	sdelay $0x7  }
0x19: {  	[tilespmem:v2+s8+$0x0] =	vst.idx.add.f32.msk $0xffff, v1  }
0x1a: {  	v2 =	vld [tilespmem:s10+$0xFFFFFFE0];
	_ =	sdelay $0x7  }
0x1b: {  	[tilespmem:v2+s8+$0x0] =	vst.idx.add.f32.msk $0xffff, v1  }
0x1c: {  	v2 =	vld [tilespmem:s10+$0xFFFFFFF0];
	_ =	sdelay $0x7  }
0x1d: {  	[tilespmem:v2+s8+$0x0] =	vst.idx.add.f32.msk $0xffff, v1  }
0x1e: {  	v2 =	vld [tilespmem:s10+$0x0];
	_ =	sdelay $0x7  }
0x1f: {  	[tilespmem:v2+s8+$0x0] =	vst.idx.add.f32.msk $0xffff, v1  }
0x20: {  	v2 =	vld [tilespmem:s10+$0x10];
	_ =	sdelay $0x7  }
0x21: {  	[tilespmem:v2+s8+$0x0] =	vst.idx.add.f32.msk $0xffff, v1  }
0x22: {  	v2 =	vld [tilespmem:s10+$0x20];
	_ =	sdelay $0x7  }
0x23: {  	[tilespmem:v2+s8+$0x0] =	vst.idx.add.f32.msk $0xffff, v1  }
0x24: {  	v2 =	vld [tilespmem:s10+$0x30];
	_ =	sdelay $0x2  }
0x25: {  	p0 =	sne.s32 s11, $0x1  }
.Ltmp1:
0x26: {  	_ = 	snop;
	(pc) =	sbr.rel @p0 .LBB2_4-.Ltmp1, $2  }
0x27: {  	_ =	sdelay $0x2  }
0x28: {  	s11 =	sadd.s32 $0xFFFFFFFF, s11;
	s10 =	sadd.s32 $0x80, s10;
	[tilespmem:v2+s8+$0x0] =	vst.idx.add.f32.msk $0xffff, v1  }
0x29: {  	s9 =	sadd.s32 $0x1, s9  }
0x2a: {  	p0 =	sne.s32 s9, s6  }
.Ltmp2:
0x2b: {  	_ = 	snop;
	(pc) =	sbr.rel @p0 .LBB2_1-.Ltmp2, $4  }
0x2c: {  	[hbm4b:s5+s2] =	stream.linear.scatter [tilespmem:s8], [sflag:$0x1], $0x2800, $0x38;
	[tilespmem:$0x6400] =	vst v63  }
0x2d: {  	_ =	swait.ge [sflag:s7], $0x2800  }
0x2e: {  	[sflag:s7] =	ssyncset.done $0x0  }
0x2f: {  	[sflag:s7] =	ssyncadd.s32 $0xFFFFD800  }
0x30: {  	_ =	sfence.sel $0x180000  }
0x31: {  	[bflag:$0x0] =	sbarrier.arrive $0xFFFF  }
0x32: {  	p0 =	sne.s32 s1, $0x0;
	_ =	strace $0x90000047  }
0x33: {  	s0 =	sadd.s32 @!p0 $0x100000, s0;
	[bflag:$0x2] =	sbarrier.arrive $0xFFFF  }
0x34: {  	[sflag:s0] =	ssyncadd.tile.s32 @!p0 $0x1;
	_ =	shalt  }
.Lfunc_end2:
_tile_overlayer_lowered:
.L_overlay_start_2:
0x35: {  	(tag) =	ssettag $0x2  }
0x36: {  	s0 =	rddreg [dreg:$0x0];
	s2 =	stileid.u32  }
0x37: {  	s1 =	rddreg [dreg:$0x1];
	p0 =	sne.s32 s2, $0x0  }
0x38: {  	s3 =	rddreg [dreg:$0x2];
	[bflag:$0x3] =	sbarrier.arrive $0xFFFF;
	s2 =	simm.s32 @!p0 $0x1C01  }
0x39: {  	[timem:s3], [sflag:s2] =	dma.local @!p0 [hbm:s0], s1  }
0x3a: {  	s0 =	simm.s32 @!p0 $0x1  }
0x3b: {  	_ =	swait.ge @!p0 [sflag:s0], s1  }
0x3c: {  	s1 =	ssub.s32 @!p0 $0x0, s1;
	[sflag:s0] =	ssyncset.done @!p0 $0x0  }
0x3d: {  	[sflag:s0] =	ssyncadd.s32 @!p0 s1  }
0x3e: {  	[bflag:$0x3] =	sbarrier.arrive $0xFFFF  }
0x3f: {  	_ =	shalt  }

</sc_bundles>
